<compile_context>
chip_gen: v7x
topology: tpu7x:2x2x1
jax: 0.10.2.dev20260603
libtpu: 0.0.44.dev20260713+nightly
codegen_flags: <defaults>
</compile_context>

<pallas_src>
import functools

import jax
import jax.numpy as jnp
import numpy as np
from jax import lax
from jax.experimental import pallas as pl
from jax.experimental.pallas import tpu as pltpu
from jax.experimental.pallas import tpu_sc as plsc

_ATOMS = 51
_V_MAX = 10.0
_V_MIN = -10.0
_SKEW = 0.0

_NTILES = 32
_SLICE_STARTS = (0, 16, 32, 35)

_LOG2_POLY = (
    -0.02456854, 0.2650243, -1.229291, 3.2128003,
    -5.2616825, 6.0668716, -3.0291514,
)
_LN2 = 0.6931471805599453


def _col_coeffs():
    atoms = _ATOMS
    delta = np.float32((_V_MAX - _V_MIN) / (atoms - 1))
    supports = np.linspace(_V_MIN, _V_MAX, atoms).astype(np.float32)
    tz = np.clip(np.float32(_SKEW) + supports, _V_MIN, _V_MAX).astype(np.float32)
    b = ((tz - np.float32(_V_MIN)) / delta).astype(np.float32)
    l = np.floor(b)
    u = np.ceil(b)
    l = np.where((u > 0) & (l == u), l - 1.0, l).astype(np.float32)
    u = np.where((l < atoms - 1) & (l == u), u + 1.0, u).astype(np.float32)
    wl = (u - b).astype(np.float32)
    wu = (b - l).astype(np.float32)
    j = np.arange(atoms, dtype=np.float32)
    l_is_j = l == j
    cs = np.where(l_is_j, wl, wu).astype(np.float32)
    cl = np.where(l_is_j, 0.0, wl).astype(np.float32)
    cr = np.where(l_is_j, wu, 0.0).astype(np.float32)
    return cs, cl, cr


def _coeff_table():
    cs, cl, cr = _col_coeffs()
    atoms = _ATOMS
    csk = cs.copy()
    clp = np.concatenate([cl[1:], [np.float32(0.0)]]).astype(np.float32)
    crm = np.concatenate([[np.float32(0.0)], cr[:-1]]).astype(np.float32)
    tab = np.zeros((12, 16), dtype=np.float32)
    for s, c0 in enumerate(_SLICE_STARTS):
        cols = np.arange(c0, c0 + 16)
        keep = (cols < atoms) if s < 3 else (cols >= 48)
        for g, arr in enumerate((csk, clp, crm)):
            vals = np.where(keep & (cols < atoms), arr[np.minimum(cols, atoms - 1)], 0.0)
            tab[4 * g + s] = vals.astype(np.float32)
    return tab


def _log16(x):
    xi = lax.bitcast_convert_type(x, jnp.int32)
    e = ((xi >> 23) & 0xFF) - 127
    m = lax.bitcast_convert_type((xi & 0x007FFFFF) | 0x3F800000, jnp.float32)
    acc = jnp.full((16,), _LOG2_POLY[0], jnp.float32)
    for c in _LOG2_POLY[1:]:
        acc = acc * m + jnp.float32(c)
    return (e.astype(jnp.float32) + acc) * jnp.float32(_LN2)


_CHUNK_ROWS = 256


_UNROLL = 4


def _gather16(v, idx):
    return lax.gather(
        v, idx.reshape(16, 1),
        dimension_numbers=lax.GatherDimensionNumbers(
            offset_dims=(), collapsed_slice_dims=(0,), start_index_map=(0,)),
        slice_sizes=(1,),
        mode=lax.GatherScatterMode.PROMISE_IN_BOUNDS,
    )


def _sc_body(rows_per_tile, a_hbm, f_hbm, coef_hbm, out_hbm,
             a_v, f_v, coef_v, accv):
    nc = 2
    wid = lax.axis_index("s") * nc + lax.axis_index("c")
    base = wid * rows_per_tile
    pltpu.sync_copy(coef_hbm, coef_v)

    zeros = jnp.zeros((16,), jnp.float32)
    csk = [coef_v[s] for s in range(4)]
    clp = [coef_v[4 + s] for s in range(4)]
    crm = [coef_v[8 + s] for s in range(4)]
    lanes = lax.iota(jnp.int32, 16)
    idx_m = jnp.maximum(lanes - 1, 0)
    idx_p = jnp.minimum(lanes + 1, 15)

    def row_terms(r, acc):
        for s, c0 in enumerate(_SLICE_STARTS):
            logf = _log16(f_v[r, pl.ds(c0, 16)] + jnp.float32(1e-16))
            a0 = a_v[r, pl.ds(c0, 16)]
            if s == 0:
                am = _gather16(a0, idx_m)
            else:
                am = a_v[r, pl.ds(c0 - 1, 16)]
            if s == 3:
                ap = _gather16(a0, idx_p)
            else:
                ap = a_v[r, pl.ds(c0 + 1, 16)]
            t = csk[s] * a0 + clp[s] * ap + crm[s] * am
            acc = acc + logf * t
        return acc

    def group_body(g_idx, accs):
        r0 = g_idx * _UNROLL
        return tuple(row_terms(r0 + u, accs[u]) for u in range(_UNROLL))

    chunk = min(_CHUNK_ROWS, rows_per_tile)
    accs = (zeros,) * _UNROLL
    for ci in range(rows_per_tile // chunk):
        rows = pl.ds(base + ci * chunk, chunk)
        pltpu.sync_copy(a_hbm.at[rows], a_v)
        pltpu.sync_copy(f_hbm.at[rows], f_v)
        accs = lax.fori_loop(0, chunk // _UNROLL, group_body, accs)
    acc = (accs[0] + accs[1]) + (accs[2] + accs[3])
    accv[...] = acc
    pltpu.sync_copy(accv, out_hbm.at[wid])


def _sc_loss_partials(anchor, feature, nrows):
    atoms = anchor.shape[1]
    rows_per_tile = nrows // _NTILES
    coef = jnp.asarray(_coeff_table())
    mesh = plsc.VectorSubcoreMesh(core_axis_name="c", subcore_axis_name="s")
    run = pl.kernel(
        functools.partial(_sc_body, rows_per_tile),
        out_type=jax.ShapeDtypeStruct((_NTILES, 16), jnp.float32),
        mesh=mesh,
        scratch_types=[
            pltpu.VMEM((min(_CHUNK_ROWS, rows_per_tile), atoms), jnp.float32),
            pltpu.VMEM((min(_CHUNK_ROWS, rows_per_tile), atoms), jnp.float32),
            pltpu.VMEM((12, 16), jnp.float32),
            pltpu.VMEM((16,), jnp.float32),
        ],
    )
    return run(anchor, feature, coef)


def _proj_matrix():
    cs, cl, cr = _col_coeffs()
    w = np.zeros((_ATOMS, _ATOMS), dtype=np.float32)
    for j in range(_ATOMS):
        w[j, j] += cs[j]
        if j > 0:
            w[j, j - 1] += cl[j]
        if j < _ATOMS - 1:
            w[j, j + 1] += cr[j]
    return w


def _tc_body(anchor_ref, feature_ref, w_ref, out_ref):
    i = pl.program_id(0)
    logf = jnp.log(feature_ref[...] + 1e-16)
    proj = lax.dot_general(
        anchor_ref[...], w_ref[...],
        dimension_numbers=(((1,), (0,)), ((), ())),
        preferred_element_type=jnp.float32,
    )
    partial = jnp.sum(proj * logf, keepdims=True)

    @pl.when(i == 0)
    def _init():
        out_ref[...] = jnp.zeros_like(out_ref)

    out_ref[...] += partial


def _tc_loss_sum(anchor, feature, row0, nrows, bm):
    batch, atoms = anchor.shape
    w = jnp.asarray(_proj_matrix())
    blk0 = row0 // bm
    total = pl.pallas_call(
        _tc_body,
        grid=(nrows // bm,),
        in_specs=[
            pl.BlockSpec((bm, atoms), lambda i: (i + blk0, 0)),
            pl.BlockSpec((bm, atoms), lambda i: (i + blk0, 0)),
            pl.BlockSpec((atoms, atoms), lambda i: (0, 0)),
        ],
        out_specs=pl.BlockSpec((1, 1), lambda i: (0, 0)),
        out_shape=jax.ShapeDtypeStruct((1, 1), jnp.float32),
    )(anchor, feature, w)
    return total[0, 0]


_SC_ROWS = 2048


def kernel(anchor, feature):
    batch, _ = anchor.shape
    if batch > _SC_ROWS:
        tc_total = _tc_loss_sum(anchor, feature, _SC_ROWS, batch - _SC_ROWS, 2048)
    else:
        tc_total = jnp.float32(0.0)
    sc_partials = _sc_loss_partials(anchor, feature, _SC_ROWS)
    total = tc_total + jnp.sum(sc_partials)
    return (-total / batch).astype(jnp.float32)

# --- scband reference (transcript-rebuilt; emitter-appended) ---
"""Pipeline reference for scband-categorical-loss-71597104824324 (READ-ONLY COPY).

The authoritative reference and input builder live on the scoring server;
editing this copy changes nothing except your own understanding.
"""

import jax, jax.numpy as jnp
import numpy as np

ATOMS = 51
V_MAX = 10.0
V_MIN = -10.0
BATCH = 16384
SKEWNESS = 0.0


def setup_inputs(seed: int = 0) -> dict:
    key = jax.random.key(seed)
    k1, k2 = jax.random.split(key)
    anchor = jax.random.uniform(k1, (BATCH, ATOMS), dtype=jnp.float32)
    feature = jax.random.uniform(k2, (BATCH, ATOMS), dtype=jnp.float32)
    return {"anchor": anchor, "feature": feature}


def reference(anchor, feature):
    atoms = ATOMS
    v_min = V_MIN
    v_max = V_MAX
    skewness = SKEWNESS
    B = feature.shape[0]
    supports = jnp.linspace(v_min, v_max, atoms).astype(jnp.float32)
    delta = (v_max - v_min) / (atoms - 1)

    skew = jnp.full((B, atoms), skewness, dtype=jnp.float32)
    Tz = skew + supports.reshape(1, -1) * jnp.ones((B, 1), dtype=jnp.float32)
    Tz = jnp.clip(Tz, v_min, v_max)
    b = (Tz - v_min) / delta
    l = jnp.floor(b).astype(jnp.int32)
    u = jnp.ceil(b).astype(jnp.int32)
    # l[(u > 0) & (l == u)] -= 1
    l = jnp.where((u > 0) & (l == u), l - 1, l)
    # u[(l < atoms - 1) & (l == u)] += 1  (uses updated l)
    u = jnp.where((l < atoms - 1) & (l == u), u + 1, u)

    offset = (jnp.arange(B, dtype=jnp.int32) * atoms).reshape(B, 1)
    flat = jnp.zeros(B * atoms, dtype=jnp.float32)
    flat = flat.at[(l + offset).reshape(-1)].add((anchor * (u.astype(jnp.float32) - b)).reshape(-1))
    flat = flat.at[(u + offset).reshape(-1)].add((anchor * (b - l.astype(jnp.float32))).reshape(-1))
    skewed_anchor = flat.reshape(B, atoms)

    loss = -(skewed_anchor * jnp.log(feature + 1e-16)).sum(-1).mean()
    return loss

if __name__ == "__main__":
    import jax
    _d = setup_inputs()
    print(jax.jit(kernel)(*tuple(_d.values())))

</pallas_src>

<mosaic_0001>
#map = affine_map<(d0, d1) -> (0, 0)>
module attributes {stable_mosaic.version = 14 : i64} {
  func.func @_sc_body(%arg0: i32, %arg1: i32, %arg2: memref<16384x51xf32, #tpu.memory_space<hbm>>, %arg3: memref<16384x51xf32, #tpu.memory_space<hbm>>, %arg4: memref<12x16xf32, #tpu.memory_space<hbm>>, %arg5: memref<32x16xf32, #tpu.memory_space<hbm>>, %arg6: memref<64x51xf32, #tpu.memory_space<vmem>>, %arg7: memref<64x51xf32, #tpu.memory_space<vmem>>, %arg8: memref<12x16xf32, #tpu.memory_space<vmem>>, %arg9: memref<16xf32, #tpu.memory_space<vmem>>) attributes {dimension_semantics = [#tpu.dimension_semantics<core_parallel>, #tpu.dimension_semantics<subcore_parallel>], iteration_bounds = array<i64: 2, 16>, scalar_prefetch = 0 : i64, scratch_operands = 4 : i64, tpu.core_type = #tpu.core_type<sc_vector_subcore>, window_params = [{transform_indices = #map}, {transform_indices = #map}, {transform_indices = #map}, {transform_indices = #map}]} {
    %mul3A = arith.constant 2 : i32
    %mul3A_0 = arith.muli %arg1, %mul3A : i32
    %add3A = arith.addi %mul3A_0, %arg0 : i32
    %mul3A_1 = arith.constant 64 : i32
    %mul3A_2 = arith.muli %add3A, %mul3A_1 : i32
    "tpu.region"() ({
      %run_scoped3A = tpu.sem_alloc : memref<!tpu.dma_semaphore, #tpu.memory_space<semaphore_mem>>
      tpu.enqueue_dma source(%arg4 : memref<12x16xf32, #tpu.memory_space<hbm>>) target(%arg8 : memref<12x16xf32, #tpu.memory_space<vmem>>) target_semaphore(%run_scoped3A : memref<!tpu.dma_semaphore, #tpu.memory_space<semaphore_mem>>)
      tpu.wait_dma2 semaphore(%run_scoped3A : memref<!tpu.dma_semaphore, #tpu.memory_space<semaphore_mem>>) src(%arg4 : memref<12x16xf32, #tpu.memory_space<hbm>>) dst(%arg8 : memref<12x16xf32, #tpu.memory_space<vmem>>)
      tpu.yield
    }) : () -> ()
    %broadcast_in_dim3A = arith.constant 0.000000e+00 : f32
    %broadcast_in_dim3A_3 = vector.broadcast %broadcast_in_dim3A : f32 to vector<16xf32>
    %get3A = arith.constant 0 : i32
    %get3A_4 = arith.index_cast %get3A : i32 to index
    %get3A_5 = arith.constant 0 : index
    %get3A_6 = tpu.vector_load %arg8[%get3A_4, %get3A_5] {strides = array<i32>} : memref<12x16xf32, #tpu.memory_space<vmem>>, vector<1x16xf32>,
    %get3A_7 = vector.shape_cast %get3A_6 : vector<1x16xf32> to vector<16xf32>
    %get3A_8 = arith.constant 1 : i32
    %get3A_9 = arith.index_cast %get3A_8 : i32 to index
    %get3A_10 = arith.constant 0 : index
    %get3A_11 = tpu.vector_load %arg8[%get3A_9, %get3A_10] {strides = array<i32>} : memref<12x16xf32, #tpu.memory_space<vmem>>, vector<1x16xf32>,
    %get3A_12 = vector.shape_cast %get3A_11 : vector<1x16xf32> to vector<16xf32>
    %get3A_13 = arith.constant 2 : i32
    %get3A_14 = arith.index_cast %get3A_13 : i32 to index
    %get3A_15 = arith.constant 0 : index
    %get3A_16 = tpu.vector_load %arg8[%get3A_14, %get3A_15] {strides = array<i32>} : memref<12x16xf32, #tpu.memory_space<vmem>>, vector<1x16xf32>,
    %get3A_17 = vector.shape_cast %get3A_16 : vector<1x16xf32> to vector<16xf32>
    %get3A_18 = arith.constant 3 : i32
    %get3A_19 = arith.index_cast %get3A_18 : i32 to index
    %get3A_20 = arith.constant 0 : index
    %get3A_21 = tpu.vector_load %arg8[%get3A_19, %get3A_20] {strides = array<i32>} : memref<12x16xf32, #tpu.memory_space<vmem>>, vector<1x16xf32>,
    %get3A_22 = vector.shape_cast %get3A_21 : vector<1x16xf32> to vector<16xf32>
    %get3A_23 = arith.constant 4 : i32
    %get3A_24 = arith.index_cast %get3A_23 : i32 to index
    %get3A_25 = arith.constant 0 : index
    %get3A_26 = tpu.vector_load %arg8[%get3A_24, %get3A_25] {strides = array<i32>} : memref<12x16xf32, #tpu.memory_space<vmem>>, vector<1x16xf32>,
    %get3A_27 = vector.shape_cast %get3A_26 : vector<1x16xf32> to vector<16xf32>
    %get3A_28 = arith.constant 5 : i32
    %get3A_29 = arith.index_cast %get3A_28 : i32 to index
    %get3A_30 = arith.constant 0 : index
    %get3A_31 = tpu.vector_load %arg8[%get3A_29, %get3A_30] {strides = array<i32>} : memref<12x16xf32, #tpu.memory_space<vmem>>, vector<1x16xf32>,
    %get3A_32 = vector.shape_cast %get3A_31 : vector<1x16xf32> to vector<16xf32>
    %get3A_33 = arith.constant 6 : i32
    %get3A_34 = arith.index_cast %get3A_33 : i32 to index
    %get3A_35 = arith.constant 0 : index
    %get3A_36 = tpu.vector_load %arg8[%get3A_34, %get3A_35] {strides = array<i32>} : memref<12x16xf32, #tpu.memory_space<vmem>>, vector<1x16xf32>,
    %get3A_37 = vector.shape_cast %get3A_36 : vector<1x16xf32> to vector<16xf32>
    %get3A_38 = arith.constant 7 : i32
    %get3A_39 = arith.index_cast %get3A_38 : i32 to index
    %get3A_40 = arith.constant 0 : index
    %get3A_41 = tpu.vector_load %arg8[%get3A_39, %get3A_40] {strides = array<i32>} : memref<12x16xf32, #tpu.memory_space<vmem>>, vector<1x16xf32>,
    %get3A_42 = vector.shape_cast %get3A_41 : vector<1x16xf32> to vector<16xf32>
    %get3A_43 = arith.constant 8 : i32
    %get3A_44 = arith.index_cast %get3A_43 : i32 to index
    %get3A_45 = arith.constant 0 : index
    %get3A_46 = tpu.vector_load %arg8[%get3A_44, %get3A_45] {strides = array<i32>} : memref<12x16xf32, #tpu.memory_space<vmem>>, vector<1x16xf32>,
    %get3A_47 = vector.shape_cast %get3A_46 : vector<1x16xf32> to vector<16xf32>
    %get3A_48 = arith.constant 9 : i32
    %get3A_49 = arith.index_cast %get3A_48 : i32 to index
    %get3A_50 = arith.constant 0 : index
    %get3A_51 = tpu.vector_load %arg8[%get3A_49, %get3A_50] {strides = array<i32>} : memref<12x16xf32, #tpu.memory_space<vmem>>, vector<1x16xf32>,
    %get3A_52 = vector.shape_cast %get3A_51 : vector<1x16xf32> to vector<16xf32>
    %get3A_53 = arith.constant 10 : i32
    %get3A_54 = arith.index_cast %get3A_53 : i32 to index
    %get3A_55 = arith.constant 0 : index
    %get3A_56 = tpu.vector_load %arg8[%get3A_54, %get3A_55] {strides = array<i32>} : memref<12x16xf32, #tpu.memory_space<vmem>>, vector<1x16xf32>,
    %get3A_57 = vector.shape_cast %get3A_56 : vector<1x16xf32> to vector<16xf32>
    %get3A_58 = arith.constant 11 : i32
    %get3A_59 = arith.index_cast %get3A_58 : i32 to index
    %get3A_60 = arith.constant 0 : index
    %get3A_61 = tpu.vector_load %arg8[%get3A_59, %get3A_60] {strides = array<i32>} : memref<12x16xf32, #tpu.memory_space<vmem>>, vector<1x16xf32>,
    %get3A_62 = vector.shape_cast %get3A_61 : vector<1x16xf32> to vector<16xf32>
    %iota3A = tpu.iota {dimensions = array<i32: 0>} : vector<16xi32>
    %sub3A = arith.constant 1 : i32
    %sub3A_63 = vector.broadcast %sub3A : i32 to vector<16xi32>
    %sub3A_64 = arith.subi %iota3A, %sub3A_63 : vector<16xi32>
    %max3A = arith.constant 0 : i32
    %max3A_65 = vector.broadcast %max3A : i32 to vector<16xi32>
    %max3A_66 = arith.maxsi %sub3A_64, %max3A_65 : vector<16xi32>
    %add3A_67 = arith.constant 1 : i32
    %add3A_68 = vector.broadcast %add3A_67 : i32 to vector<16xi32>
    %add3A_69 = arith.addi %iota3A, %add3A_68 : vector<16xi32>
    %min3A = arith.constant 15 : i32
    %min3A_70 = vector.broadcast %min3A : i32 to vector<16xi32>
    %min3A_71 = arith.minsi %add3A_69, %min3A_70 : vector<16xi32>
    %add3A_72 = arith.constant 0 : i32
    %add3A_73 = arith.addi %mul3A_2, %add3A_72 : i32
    "tpu.region"() ({
      %run_scoped3A = tpu.sem_alloc : memref<!tpu.dma_semaphore, #tpu.memory_space<semaphore_mem>>
      %dma_start3A = arith.constant 0 : i32
      %dma_start3A_85 = tpu.memref_slice %arg2[%add3A_73, %dma_start3A] : memref<16384x51xf32, #tpu.memory_space<hbm>> -> memref<64x51xf32, #tpu.memory_space<hbm>>
      %dma_start3A_86 = arith.constant 0 : i32
      %dma_start3A_87 = tpu.memref_slice %arg2[%add3A_73, %dma_start3A_86] : memref<16384x51xf32, #tpu.memory_space<hbm>> -> memref<64x51xf32, #tpu.memory_space<hbm>>
      tpu.enqueue_dma source(%dma_start3A_87 : memref<64x51xf32, #tpu.memory_space<hbm>>) target(%arg6 : memref<64x51xf32, #tpu.memory_space<vmem>>) target_semaphore(%run_scoped3A : memref<!tpu.dma_semaphore, #tpu.memory_space<semaphore_mem>>)
      %dma_wait3A = arith.constant 0 : i32
      %dma_wait3A_88 = tpu.memref_slice %arg2[%add3A_73, %dma_wait3A] : memref<16384x51xf32, #tpu.memory_space<hbm>> -> memref<64x51xf32, #tpu.memory_space<hbm>>
      %dma_wait3A_89 = arith.constant 0 : i32
      %dma_wait3A_90 = tpu.memref_slice %arg2[%add3A_73, %dma_wait3A_89] : memref<16384x51xf32, #tpu.memory_space<hbm>> -> memref<64x51xf32, #tpu.memory_space<hbm>>
      tpu.wait_dma2 semaphore(%run_scoped3A : memref<!tpu.dma_semaphore, #tpu.memory_space<semaphore_mem>>) src(%dma_wait3A_90 : memref<64x51xf32, #tpu.memory_space<hbm>>) dst(%arg6 : memref<64x51xf32, #tpu.memory_space<vmem>>)
      tpu.yield
    }) : () -> ()
    "tpu.region"() ({
      %run_scoped3A = tpu.sem_alloc : memref<!tpu.dma_semaphore, #tpu.memory_space<semaphore_mem>>
      %dma_start3A = arith.constant 0 : i32
      %dma_start3A_85 = tpu.memref_slice %arg3[%add3A_73, %dma_start3A] : memref<16384x51xf32, #tpu.memory_space<hbm>> -> memref<64x51xf32, #tpu.memory_space<hbm>>
      %dma_start3A_86 = arith.constant 0 : i32
      %dma_start3A_87 = tpu.memref_slice %arg3[%add3A_73, %dma_start3A_86] : memref<16384x51xf32, #tpu.memory_space<hbm>> -> memref<64x51xf32, #tpu.memory_space<hbm>>
      tpu.enqueue_dma source(%dma_start3A_87 : memref<64x51xf32, #tpu.memory_space<hbm>>) target(%arg7 : memref<64x51xf32, #tpu.memory_space<vmem>>) target_semaphore(%run_scoped3A : memref<!tpu.dma_semaphore, #tpu.memory_space<semaphore_mem>>)
      %dma_wait3A = arith.constant 0 : i32
      %dma_wait3A_88 = tpu.memref_slice %arg3[%add3A_73, %dma_wait3A] : memref<16384x51xf32, #tpu.memory_space<hbm>> -> memref<64x51xf32, #tpu.memory_space<hbm>>
      %dma_wait3A_89 = arith.constant 0 : i32
      %dma_wait3A_90 = tpu.memref_slice %arg3[%add3A_73, %dma_wait3A_89] : memref<16384x51xf32, #tpu.memory_space<hbm>> -> memref<64x51xf32, #tpu.memory_space<hbm>>
      tpu.wait_dma2 semaphore(%run_scoped3A : memref<!tpu.dma_semaphore, #tpu.memory_space<semaphore_mem>>) src(%dma_wait3A_90 : memref<64x51xf32, #tpu.memory_space<hbm>>) dst(%arg7 : memref<64x51xf32, #tpu.memory_space<vmem>>)
      tpu.yield
    }) : () -> ()
    %scan3A = arith.constant 0 : i32
    %scan3A_74 = arith.constant 16 : i32
    %scan3A_75 = arith.addi %scan3A, %scan3A_74 : i32
    %scan3A_76 = arith.constant 1 : i32
    %scan3A_77:4 = scf.for %scan3A_85 = %scan3A to %scan3A_75 step %scan3A_76 iter_args(%scan3A_86 = %broadcast_in_dim3A_3, %scan3A_87 = %broadcast_in_dim3A_3, %scan3A_88 = %broadcast_in_dim3A_3, %scan3A_89 = %broadcast_in_dim3A_3) -> (vector<16xf32>, vector<16xf32>, vector<16xf32>, vector<16xf32>)  : i32 {
      %mul3A_90 = arith.constant 4 : i32
      %mul3A_91 = arith.muli %scan3A_85, %mul3A_90 : i32
      %add3A_92 = arith.constant 0 : i32
      %add3A_93 = arith.addi %mul3A_91, %add3A_92 : i32
      %get3A_94 = arith.index_cast %add3A_93 : i32 to index
      %get3A_95 = arith.constant 0 : index
      %get3A_96 = tpu.vector_load %arg7[%get3A_94, %get3A_95] {strides = array<i32>} : memref<64x51xf32, #tpu.memory_space<vmem>>, vector<1x16xf32>,
      %get3A_97 = vector.shape_cast %get3A_96 : vector<1x16xf32> to vector<16xf32>
      %add3A_98 = arith.constant 1.000000e-16 : f32
      %add3A_99 = vector.broadcast %add3A_98 : f32 to vector<16xf32>
      %add3A_100 = arith.addf %get3A_97, %add3A_99 : vector<16xf32>
      %bitcast_convert_type3A = tpu.bitcast %add3A_100 : vector<16xf32> -> vector<16xi32>
      %shift_right_arithmetic3A = arith.constant 23 : i32
      %shift_right_arithmetic3A_101 = vector.broadcast %shift_right_arithmetic3A : i32 to vector<16xi32>
      %shift_right_arithmetic3A_102 = arith.shrsi %bitcast_convert_type3A, %shift_right_arithmetic3A_101 : vector<16xi32>
      %and3A = arith.constant 255 : i32
      %and3A_103 = vector.broadcast %and3A : i32 to vector<16xi32>
      %and3A_104 = arith.andi %shift_right_arithmetic3A_102, %and3A_103 : vector<16xi32>
      %sub3A_105 = arith.constant 127 : i32
      %sub3A_106 = vector.broadcast %sub3A_105 : i32 to vector<16xi32>
      %sub3A_107 = arith.subi %and3A_104, %sub3A_106 : vector<16xi32>
      %and3A_108 = arith.constant 8388607 : i32
      %and3A_109 = vector.broadcast %and3A_108 : i32 to vector<16xi32>
      %and3A_110 = arith.andi %bitcast_convert_type3A, %and3A_109 : vector<16xi32>
      %or3A = arith.constant 1065353216 : i32
      %or3A_111 = vector.broadcast %or3A : i32 to vector<16xi32>
      %or3A_112 = arith.ori %and3A_110, %or3A_111 : vector<16xi32>
      %bitcast_convert_type3A_113 = tpu.bitcast %or3A_112 : vector<16xi32> -> vector<16xf32>
      %broadcast_in_dim3A_114 = arith.constant -0.0245685391 : f32
      %broadcast_in_dim3A_115 = vector.broadcast %broadcast_in_dim3A_114 : f32 to vector<16xf32>
      %mul3A_116 = arith.mulf %broadcast_in_dim3A_115, %bitcast_convert_type3A_113 : vector<16xf32>
      %add3A_117 = arith.constant 0.265024304 : f32
      %add3A_118 = vector.broadcast %add3A_117 : f32 to vector<16xf32>
      %add3A_119 = arith.addf %mul3A_116, %add3A_118 : vector<16xf32>
      %mul3A_120 = arith.mulf %add3A_119, %bitcast_convert_type3A_113 : vector<16xf32>
      %add3A_121 = arith.constant -1.22929096 : f32
      %add3A_122 = vector.broadcast %add3A_121 : f32 to vector<16xf32>
      %add3A_123 = arith.addf %mul3A_120, %add3A_122 : vector<16xf32>
      %mul3A_124 = arith.mulf %add3A_123, %bitcast_convert_type3A_113 : vector<16xf32>
      %add3A_125 = arith.constant 3.21280026 : f32
      %add3A_126 = vector.broadcast %add3A_125 : f32 to vector<16xf32>
      %add3A_127 = arith.addf %mul3A_124, %add3A_126 : vector<16xf32>
      %mul3A_128 = arith.mulf %add3A_127, %bitcast_convert_type3A_113 : vector<16xf32>
      %add3A_129 = arith.constant -5.26168251 : f32
      %add3A_130 = vector.broadcast %add3A_129 : f32 to vector<16xf32>
      %add3A_131 = arith.addf %mul3A_128, %add3A_130 : vector<16xf32>
      %mul3A_132 = arith.mulf %add3A_131, %bitcast_convert_type3A_113 : vector<16xf32>
      %add3A_133 = arith.constant 6.06687164 : f32
      %add3A_134 = vector.broadcast %add3A_133 : f32 to vector<16xf32>
      %add3A_135 = arith.addf %mul3A_132, %add3A_134 : vector<16xf32>
      %mul3A_136 = arith.mulf %add3A_135, %bitcast_convert_type3A_113 : vector<16xf32>
      %add3A_137 = arith.constant -3.02915144 : f32
      %add3A_138 = vector.broadcast %add3A_137 : f32 to vector<16xf32>
      %add3A_139 = arith.addf %mul3A_136, %add3A_138 : vector<16xf32>
      %convert_element_type3A = arith.sitofp %sub3A_107 : vector<16xi32> to vector<16xf32>
      %add3A_140 = arith.addf %convert_element_type3A, %add3A_139 : vector<16xf32>
      %mul3A_141 = arith.constant 0.693147182 : f32
      %mul3A_142 = vector.broadcast %mul3A_141 : f32 to vector<16xf32>
      %mul3A_143 = arith.mulf %add3A_140, %mul3A_142 : vector<16xf32>
      %get3A_144 = arith.index_cast %add3A_93 : i32 to index
      %get3A_145 = arith.constant 0 : index
      %get3A_146 = tpu.vector_load %arg6[%get3A_144, %get3A_145] {strides = array<i32>} : memref<64x51xf32, #tpu.memory_space<vmem>>, vector<1x16xf32>,
      %get3A_147 = vector.shape_cast %get3A_146 : vector<1x16xf32> to vector<16xf32>
      %reshape3A = vector.shape_cast %max3A_66 : vector<16xi32> to vector<16x1xi32>
      %gather3A = vector.shape_cast %reshape3A : vector<16x1xi32> to vector<16xi32>
      %gather3A_148 = tpu.dynamic_gather %get3A_147[%gather3A] in [0] : vector<16xf32>, vector<16xi32> -> vector<16xf32>
      %get3A_149 = arith.index_cast %add3A_93 : i32 to index
      %get3A_150 = arith.constant 1 : index
      %get3A_151 = tpu.vector_load %arg6[%get3A_149, %get3A_150] {strides = array<i32>} : memref<64x51xf32, #tpu.memory_space<vmem>>, vector<1x16xf32>,
      %get3A_152 = vector.shape_cast %get3A_151 : vector<1x16xf32> to vector<16xf32>
      %mul3A_153 = arith.mulf %get3A_7, %get3A_147 : vector<16xf32>
      %mul3A_154 = arith.mulf %get3A_27, %get3A_152 : vector<16xf32>
      %add3A_155 = arith.addf %mul3A_153, %mul3A_154 : vector<16xf32>
      %mul3A_156 = arith.mulf %get3A_47, %gather3A_148 : vector<16xf32>
      %add3A_157 = arith.addf %add3A_155, %mul3A_156 : vector<16xf32>
      %mul3A_158 = arith.mulf %mul3A_143, %add3A_157 : vector<16xf32>
      %add3A_159 = arith.addf %scan3A_86, %mul3A_158 : vector<16xf32>
      %get3A_160 = arith.index_cast %add3A_93 : i32 to index
      %get3A_161 = arith.constant 16 : index
      %get3A_162 = tpu.vector_load %arg7[%get3A_160, %get3A_161] {strides = array<i32>} : memref<64x51xf32, #tpu.memory_space<vmem>>, vector<1x16xf32>,
      %get3A_163 = vector.shape_cast %get3A_162 : vector<1x16xf32> to vector<16xf32>
      %add3A_164 = arith.constant 1.000000e-16 : f32
      %add3A_165 = vector.broadcast %add3A_164 : f32 to vector<16xf32>
      %add3A_166 = arith.addf %get3A_163, %add3A_165 : vector<16xf32>
      %bitcast_convert_type3A_167 = tpu.bitcast %add3A_166 : vector<16xf32> -> vector<16xi32>
      %shift_right_arithmetic3A_168 = arith.constant 23 : i32
      %shift_right_arithmetic3A_169 = vector.broadcast %shift_right_arithmetic3A_168 : i32 to vector<16xi32>
      %shift_right_arithmetic3A_170 = arith.shrsi %bitcast_convert_type3A_167, %shift_right_arithmetic3A_169 : vector<16xi32>
      %and3A_171 = arith.constant 255 : i32
      %and3A_172 = vector.broadcast %and3A_171 : i32 to vector<16xi32>
      %and3A_173 = arith.andi %shift_right_arithmetic3A_170, %and3A_172 : vector<16xi32>
      %sub3A_174 = arith.constant 127 : i32
      %sub3A_175 = vector.broadcast %sub3A_174 : i32 to vector<16xi32>
      %sub3A_176 = arith.subi %and3A_173, %sub3A_175 : vector<16xi32>
      %and3A_177 = arith.constant 8388607 : i32
      %and3A_178 = vector.broadcast %and3A_177 : i32 to vector<16xi32>
      %and3A_179 = arith.andi %bitcast_convert_type3A_167, %and3A_178 : vector<16xi32>
      %or3A_180 = arith.constant 1065353216 : i32
      %or3A_181 = vector.broadcast %or3A_180 : i32 to vector<16xi32>
      %or3A_182 = arith.ori %and3A_179, %or3A_181 : vector<16xi32>
      %bitcast_convert_type3A_183 = tpu.bitcast %or3A_182 : vector<16xi32> -> vector<16xf32>
      %broadcast_in_dim3A_184 = arith.constant -0.0245685391 : f32
      %broadcast_in_dim3A_185 = vector.broadcast %broadcast_in_dim3A_184 : f32 to vector<16xf32>
      %mul3A_186 = arith.mulf %broadcast_in_dim3A_185, %bitcast_convert_type3A_183 : vector<16xf32>
      %add3A_187 = arith.constant 0.265024304 : f32
      %add3A_188 = vector.broadcast %add3A_187 : f32 to vector<16xf32>
      %add3A_189 = arith.addf %mul3A_186, %add3A_188 : vector<16xf32>
      %mul3A_190 = arith.mulf %add3A_189, %bitcast_convert_type3A_183 : vector<16xf32>
      %add3A_191 = arith.constant -1.22929096 : f32
      %add3A_192 = vector.broadcast %add3A_191 : f32 to vector<16xf32>
      %add3A_193 = arith.addf %mul3A_190, %add3A_192 : vector<16xf32>
      %mul3A_194 = arith.mulf %add3A_193, %bitcast_convert_type3A_183 : vector<16xf32>
      %add3A_195 = arith.constant 3.21280026 : f32
      %add3A_196 = vector.broadcast %add3A_195 : f32 to vector<16xf32>
      %add3A_197 = arith.addf %mul3A_194, %add3A_196 : vector<16xf32>
      %mul3A_198 = arith.mulf %add3A_197, %bitcast_convert_type3A_183 : vector<16xf32>
      %add3A_199 = arith.constant -5.26168251 : f32
      %add3A_200 = vector.broadcast %add3A_199 : f32 to vector<16xf32>
      %add3A_201 = arith.addf %mul3A_198, %add3A_200 : vector<16xf32>
      %mul3A_202 = arith.mulf %add3A_201, %bitcast_convert_type3A_183 : vector<16xf32>
      %add3A_203 = arith.constant 6.06687164 : f32
      %add3A_204 = vector.broadcast %add3A_203 : f32 to vector<16xf32>
      %add3A_205 = arith.addf %mul3A_202, %add3A_204 : vector<16xf32>
      %mul3A_206 = arith.mulf %add3A_205, %bitcast_convert_type3A_183 : vector<16xf32>
      %add3A_207 = arith.constant -3.02915144 : f32
      %add3A_208 = vector.broadcast %add3A_207 : f32 to vector<16xf32>
      %add3A_209 = arith.addf %mul3A_206, %add3A_208 : vector<16xf32>
      %convert_element_type3A_210 = arith.sitofp %sub3A_176 : vector<16xi32> to vector<16xf32>
      %add3A_211 = arith.addf %convert_element_type3A_210, %add3A_209 : vector<16xf32>
      %mul3A_212 = arith.constant 0.693147182 : f32
      %mul3A_213 = vector.broadcast %mul3A_212 : f32 to vector<16xf32>
      %mul3A_214 = arith.mulf %add3A_211, %mul3A_213 : vector<16xf32>
      %get3A_215 = arith.index_cast %add3A_93 : i32 to index
      %get3A_216 = arith.constant 16 : index
      %get3A_217 = tpu.vector_load %arg6[%get3A_215, %get3A_216] {strides = array<i32>} : memref<64x51xf32, #tpu.memory_space<vmem>>, vector<1x16xf32>,
      %get3A_218 = vector.shape_cast %get3A_217 : vector<1x16xf32> to vector<16xf32>
      %get3A_219 = arith.index_cast %add3A_93 : i32 to index
      %get3A_220 = arith.constant 15 : index
      %get3A_221 = tpu.vector_load %arg6[%get3A_219, %get3A_220] {strides = array<i32>} : memref<64x51xf32, #tpu.memory_space<vmem>>, vector<1x16xf32>,
      %get3A_222 = vector.shape_cast %get3A_221 : vector<1x16xf32> to vector<16xf32>
      %get3A_223 = arith.index_cast %add3A_93 : i32 to index
      %get3A_224 = arith.constant 17 : index
      %get3A_225 = tpu.vector_load %arg6[%get3A_223, %get3A_224] {strides = array<i32>} : memref<64x51xf32, #tpu.memory_space<vmem>>, vector<1x16xf32>,
      %get3A_226 = vector.shape_cast %get3A_225 : vector<1x16xf32> to vector<16xf32>
      %mul3A_227 = arith.mulf %get3A_12, %get3A_218 : vector<16xf32>
      %mul3A_228 = arith.mulf %get3A_32, %get3A_226 : vector<16xf32>
      %add3A_229 = arith.addf %mul3A_227, %mul3A_228 : vector<16xf32>
      %mul3A_230 = arith.mulf %get3A_52, %get3A_222 : vector<16xf32>
      %add3A_231 = arith.addf %add3A_229, %mul3A_230 : vector<16xf32>
      %mul3A_232 = arith.mulf %mul3A_214, %add3A_231 : vector<16xf32>
      %add3A_233 = arith.addf %add3A_159, %mul3A_232 : vector<16xf32>
      %get3A_234 = arith.index_cast %add3A_93 : i32 to index
      %get3A_235 = arith.constant 32 : index
      %get3A_236 = tpu.vector_load %arg7[%get3A_234, %get3A_235] {strides = array<i32>} : memref<64x51xf32, #tpu.memory_space<vmem>>, vector<1x16xf32>,
      %get3A_237 = vector.shape_cast %get3A_236 : vector<1x16xf32> to vector<16xf32>
      %add3A_238 = arith.constant 1.000000e-16 : f32
      %add3A_239 = vector.broadcast %add3A_238 : f32 to vector<16xf32>
      %add3A_240 = arith.addf %get3A_237, %add3A_239 : vector<16xf32>
      %bitcast_convert_type3A_241 = tpu.bitcast %add3A_240 : vector<16xf32> -> vector<16xi32>
      %shift_right_arithmetic3A_242 = arith.constant 23 : i32
      %shift_right_arithmetic3A_243 = vector.broadcast %shift_right_arithmetic3A_242 : i32 to vector<16xi32>
      %shift_right_arithmetic3A_244 = arith.shrsi %bitcast_convert_type3A_241, %shift_right_arithmetic3A_243 : vector<16xi32>
      %and3A_245 = arith.constant 255 : i32
      %and3A_246 = vector.broadcast %and3A_245 : i32 to vector<16xi32>
      %and3A_247 = arith.andi %shift_right_arithmetic3A_244, %and3A_246 : vector<16xi32>
      %sub3A_248 = arith.constant 127 : i32
      %sub3A_249 = vector.broadcast %sub3A_248 : i32 to vector<16xi32>
      %sub3A_250 = arith.subi %and3A_247, %sub3A_249 : vector<16xi32>
      %and3A_251 = arith.constant 8388607 : i32
      %and3A_252 = vector.broadcast %and3A_251 : i32 to vector<16xi32>
      %and3A_253 = arith.andi %bitcast_convert_type3A_241, %and3A_252 : vector<16xi32>
      %or3A_254 = arith.constant 1065353216 : i32
      %or3A_255 = vector.broadcast %or3A_254 : i32 to vector<16xi32>
      %or3A_256 = arith.ori %and3A_253, %or3A_255 : vector<16xi32>
      %bitcast_convert_type3A_257 = tpu.bitcast %or3A_256 : vector<16xi32> -> vector<16xf32>
      %broadcast_in_dim3A_258 = arith.constant -0.0245685391 : f32
      %broadcast_in_dim3A_259 = vector.broadcast %broadcast_in_dim3A_258 : f32 to vector<16xf32>
      %mul3A_260 = arith.mulf %broadcast_in_dim3A_259, %bitcast_convert_type3A_257 : vector<16xf32>
      %add3A_261 = arith.constant 0.265024304 : f32
      %add3A_262 = vector.broadcast %add3A_261 : f32 to vector<16xf32>
      %add3A_263 = arith.addf %mul3A_260, %add3A_262 : vector<16xf32>
      %mul3A_264 = arith.mulf %add3A_263, %bitcast_convert_type3A_257 : vector<16xf32>
      %add3A_265 = arith.constant -1.22929096 : f32
      %add3A_266 = vector.broadcast %add3A_265 : f32 to vector<16xf32>
      %add3A_267 = arith.addf %mul3A_264, %add3A_266 : vector<16xf32>
      %mul3A_268 = arith.mulf %add3A_267, %bitcast_convert_type3A_257 : vector<16xf32>
      %add3A_269 = arith.constant 3.21280026 : f32
      %add3A_270 = vector.broadcast %add3A_269 : f32 to vector<16xf32>
      %add3A_271 = arith.addf %mul3A_268, %add3A_270 : vector<16xf32>
      %mul3A_272 = arith.mulf %add3A_271, %bitcast_convert_type3A_257 : vector<16xf32>
      %add3A_273 = arith.constant -5.26168251 : f32
      %add3A_274 = vector.broadcast %add3A_273 : f32 to vector<16xf32>
      %add3A_275 = arith.addf %mul3A_272, %add3A_274 : vector<16xf32>
      %mul3A_276 = arith.mulf %add3A_275, %bitcast_convert_type3A_257 : vector<16xf32>
      %add3A_277 = arith.constant 6.06687164 : f32
      %add3A_278 = vector.broadcast %add3A_277 : f32 to vector<16xf32>
      %add3A_279 = arith.addf %mul3A_276, %add3A_278 : vector<16xf32>
      %mul3A_280 = arith.mulf %add3A_279, %bitcast_convert_type3A_257 : vector<16xf32>
      %add3A_281 = arith.constant -3.02915144 : f32
      %add3A_282 = vector.broadcast %add3A_281 : f32 to vector<16xf32>
      %add3A_283 = arith.addf %mul3A_280, %add3A_282 : vector<16xf32>
      %convert_element_type3A_284 = arith.sitofp %sub3A_250 : vector<16xi32> to vector<16xf32>
      %add3A_285 = arith.addf %convert_element_type3A_284, %add3A_283 : vector<16xf32>
      %mul3A_286 = arith.constant 0.693147182 : f32
      %mul3A_287 = vector.broadcast %mul3A_286 : f32 to vector<16xf32>
      %mul3A_288 = arith.mulf %add3A_285, %mul3A_287 : vector<16xf32>
      %get3A_289 = arith.index_cast %add3A_93 : i32 to index
      %get3A_290 = arith.constant 32 : index
      %get3A_291 = tpu.vector_load %arg6[%get3A_289, %get3A_290] {strides = array<i32>} : memref<64x51xf32, #tpu.memory_space<vmem>>, vector<1x16xf32>,
      %get3A_292 = vector.shape_cast %get3A_291 : vector<1x16xf32> to vector<16xf32>
      %get3A_293 = arith.index_cast %add3A_93 : i32 to index
      %get3A_294 = arith.constant 31 : index
      %get3A_295 = tpu.vector_load %arg6[%get3A_293, %get3A_294] {strides = array<i32>} : memref<64x51xf32, #tpu.memory_space<vmem>>, vector<1x16xf32>,
      %get3A_296 = vector.shape_cast %get3A_295 : vector<1x16xf32> to vector<16xf32>
      %get3A_297 = arith.index_cast %add3A_93 : i32 to index
      %get3A_298 = arith.constant 33 : index
      %get3A_299 = tpu.vector_load %arg6[%get3A_297, %get3A_298] {strides = array<i32>} : memref<64x51xf32, #tpu.memory_space<vmem>>, vector<1x16xf32>,
      %get3A_300 = vector.shape_cast %get3A_299 : vector<1x16xf32> to vector<16xf32>
      %mul3A_301 = arith.mulf %get3A_17, %get3A_292 : vector<16xf32>
      %mul3A_302 = arith.mulf %get3A_37, %get3A_300 : vector<16xf32>
      %add3A_303 = arith.addf %mul3A_301, %mul3A_302 : vector<16xf32>
      %mul3A_304 = arith.mulf %get3A_57, %get3A_296 : vector<16xf32>
      %add3A_305 = arith.addf %add3A_303, %mul3A_304 : vector<16xf32>
      %mul3A_306 = arith.mulf %mul3A_288, %add3A_305 : vector<16xf32>
      %add3A_307 = arith.addf %add3A_233, %mul3A_306 : vector<16xf32>
      %get3A_308 = arith.index_cast %add3A_93 : i32 to index
      %get3A_309 = arith.constant 35 : index
      %get3A_310 = tpu.vector_load %arg7[%get3A_308, %get3A_309] {strides = array<i32>} : memref<64x51xf32, #tpu.memory_space<vmem>>, vector<1x16xf32>,
      %get3A_311 = vector.shape_cast %get3A_310 : vector<1x16xf32> to vector<16xf32>
      %add3A_312 = arith.constant 1.000000e-16 : f32
      %add3A_313 = vector.broadcast %add3A_312 : f32 to vector<16xf32>
      %add3A_314 = arith.addf %get3A_311, %add3A_313 : vector<16xf32>
      %bitcast_convert_type3A_315 = tpu.bitcast %add3A_314 : vector<16xf32> -> vector<16xi32>
      %shift_right_arithmetic3A_316 = arith.constant 23 : i32
      %shift_right_arithmetic3A_317 = vector.broadcast %shift_right_arithmetic3A_316 : i32 to vector<16xi32>
      %shift_right_arithmetic3A_318 = arith.shrsi %bitcast_convert_type3A_315, %shift_right_arithmetic3A_317 : vector<16xi32>
      %and3A_319 = arith.constant 255 : i32
      %and3A_320 = vector.broadcast %and3A_319 : i32 to vector<16xi32>
      %and3A_321 = arith.andi %shift_right_arithmetic3A_318, %and3A_320 : vector<16xi32>
      %sub3A_322 = arith.constant 127 : i32
      %sub3A_323 = vector.broadcast %sub3A_322 : i32 to vector<16xi32>
      %sub3A_324 = arith.subi %and3A_321, %sub3A_323 : vector<16xi32>
      %and3A_325 = arith.constant 8388607 : i32
      %and3A_326 = vector.broadcast %and3A_325 : i32 to vector<16xi32>
      %and3A_327 = arith.andi %bitcast_convert_type3A_315, %and3A_326 : vector<16xi32>
      %or3A_328 = arith.constant 1065353216 : i32
      %or3A_329 = vector.broadcast %or3A_328 : i32 to vector<16xi32>
      %or3A_330 = arith.ori %and3A_327, %or3A_329 : vector<16xi32>
      %bitcast_convert_type3A_331 = tpu.bitcast %or3A_330 : vector<16xi32> -> vector<16xf32>
      %broadcast_in_dim3A_332 = arith.constant -0.0245685391 : f32
      %broadcast_in_dim3A_333 = vector.broadcast %broadcast_in_dim3A_332 : f32 to vector<16xf32>
      %mul3A_334 = arith.mulf %broadcast_in_dim3A_333, %bitcast_convert_type3A_331 : vector<16xf32>
      %add3A_335 = arith.constant 0.265024304 : f32
      %add3A_336 = vector.broadcast %add3A_335 : f32 to vector<16xf32>
      %add3A_337 = arith.addf %mul3A_334, %add3A_336 : vector<16xf32>
      %mul3A_338 = arith.mulf %add3A_337, %bitcast_convert_type3A_331 : vector<16xf32>
      %add3A_339 = arith.constant -1.22929096 : f32
      %add3A_340 = vector.broadcast %add3A_339 : f32 to vector<16xf32>
      %add3A_341 = arith.addf %mul3A_338, %add3A_340 : vector<16xf32>
      %mul3A_342 = arith.mulf %add3A_341, %bitcast_convert_type3A_331 : vector<16xf32>
      %add3A_343 = arith.constant 3.21280026 : f32
      %add3A_344 = vector.broadcast %add3A_343 : f32 to vector<16xf32>
      %add3A_345 = arith.addf %mul3A_342, %add3A_344 : vector<16xf32>
      %mul3A_346 = arith.mulf %add3A_345, %bitcast_convert_type3A_331 : vector<16xf32>
      %add3A_347 = arith.constant -5.26168251 : f32
      %add3A_348 = vector.broadcast %add3A_347 : f32 to vector<16xf32>
      %add3A_349 = arith.addf %mul3A_346, %add3A_348 : vector<16xf32>
      %mul3A_350 = arith.mulf %add3A_349, %bitcast_convert_type3A_331 : vector<16xf32>
      %add3A_351 = arith.constant 6.06687164 : f32
      %add3A_352 = vector.broadcast %add3A_351 : f32 to vector<16xf32>
      %add3A_353 = arith.addf %mul3A_350, %add3A_352 : vector<16xf32>
      %mul3A_354 = arith.mulf %add3A_353, %bitcast_convert_type3A_331 : vector<16xf32>
      %add3A_355 = arith.constant -3.02915144 : f32
      %add3A_356 = vector.broadcast %add3A_355 : f32 to vector<16xf32>
      %add3A_357 = arith.addf %mul3A_354, %add3A_356 : vector<16xf32>
      %convert_element_type3A_358 = arith.sitofp %sub3A_324 : vector<16xi32> to vector<16xf32>
      %add3A_359 = arith.addf %convert_element_type3A_358, %add3A_357 : vector<16xf32>
      %mul3A_360 = arith.constant 0.693147182 : f32
      %mul3A_361 = vector.broadcast %mul3A_360 : f32 to vector<16xf32>
      %mul3A_362 = arith.mulf %add3A_359, %mul3A_361 : vector<16xf32>
      %get3A_363 = arith.index_cast %add3A_93 : i32 to index
      %get3A_364 = arith.constant 35 : index
      %get3A_365 = tpu.vector_load %arg6[%get3A_363, %get3A_364] {strides = array<i32>} : memref<64x51xf32, #tpu.memory_space<vmem>>, vector<1x16xf32>,
      %get3A_366 = vector.shape_cast %get3A_365 : vector<1x16xf32> to vector<16xf32>
      %get3A_367 = arith.index_cast %add3A_93 : i32 to index
      %get3A_368 = arith.constant 34 : index
      %get3A_369 = tpu.vector_load %arg6[%get3A_367, %get3A_368] {strides = array<i32>} : memref<64x51xf32, #tpu.memory_space<vmem>>, vector<1x16xf32>,
      %get3A_370 = vector.shape_cast %get3A_369 : vector<1x16xf32> to vector<16xf32>
      %reshape3A_371 = vector.shape_cast %min3A_71 : vector<16xi32> to vector<16x1xi32>
      %gather3A_372 = vector.shape_cast %reshape3A_371 : vector<16x1xi32> to vector<16xi32>
      %gather3A_373 = tpu.dynamic_gather %get3A_366[%gather3A_372] in [0] : vector<16xf32>, vector<16xi32> -> vector<16xf32>
      %mul3A_374 = arith.mulf %get3A_22, %get3A_366 : vector<16xf32>
      %mul3A_375 = arith.mulf %get3A_42, %gather3A_373 : vector<16xf32>
      %add3A_376 = arith.addf %mul3A_374, %mul3A_375 : vector<16xf32>
      %mul3A_377 = arith.mulf %get3A_62, %get3A_370 : vector<16xf32>
      %add3A_378 = arith.addf %add3A_376, %mul3A_377 : vector<16xf32>
      %mul3A_379 = arith.mulf %mul3A_362, %add3A_378 : vector<16xf32>
      %add3A_380 = arith.addf %add3A_307, %mul3A_379 : vector<16xf32>
      %add3A_381 = arith.constant 1 : i32
      %add3A_382 = arith.addi %mul3A_91, %add3A_381 : i32
      %get3A_383 = arith.index_cast %add3A_382 : i32 to index
      %get3A_384 = arith.constant 0 : index
      %get3A_385 = tpu.vector_load %arg7[%get3A_383, %get3A_384] {strides = array<i32>} : memref<64x51xf32, #tpu.memory_space<vmem>>, vector<1x16xf32>,
      %get3A_386 = vector.shape_cast %get3A_385 : vector<1x16xf32> to vector<16xf32>
      %add3A_387 = arith.constant 1.000000e-16 : f32
      %add3A_388 = vector.broadcast %add3A_387 : f32 to vector<16xf32>
      %add3A_389 = arith.addf %get3A_386, %add3A_388 : vector<16xf32>
      %bitcast_convert_type3A_390 = tpu.bitcast %add3A_389 : vector<16xf32> -> vector<16xi32>
      %shift_right_arithmetic3A_391 = arith.constant 23 : i32
      %shift_right_arithmetic3A_392 = vector.broadcast %shift_right_arithmetic3A_391 : i32 to vector<16xi32>
      %shift_right_arithmetic3A_393 = arith.shrsi %bitcast_convert_type3A_390, %shift_right_arithmetic3A_392 : vector<16xi32>
      %and3A_394 = arith.constant 255 : i32
      %and3A_395 = vector.broadcast %and3A_394 : i32 to vector<16xi32>
      %and3A_396 = arith.andi %shift_right_arithmetic3A_393, %and3A_395 : vector<16xi32>
      %sub3A_397 = arith.constant 127 : i32
      %sub3A_398 = vector.broadcast %sub3A_397 : i32 to vector<16xi32>
      %sub3A_399 = arith.subi %and3A_396, %sub3A_398 : vector<16xi32>
      %and3A_400 = arith.constant 8388607 : i32
      %and3A_401 = vector.broadcast %and3A_400 : i32 to vector<16xi32>
      %and3A_402 = arith.andi %bitcast_convert_type3A_390, %and3A_401 : vector<16xi32>
      %or3A_403 = arith.constant 1065353216 : i32
      %or3A_404 = vector.broadcast %or3A_403 : i32 to vector<16xi32>
      %or3A_405 = arith.ori %and3A_402, %or3A_404 : vector<16xi32>
      %bitcast_convert_type3A_406 = tpu.bitcast %or3A_405 : vector<16xi32> -> vector<16xf32>
      %broadcast_in_dim3A_407 = arith.constant -0.0245685391 : f32
      %broadcast_in_dim3A_408 = vector.broadcast %broadcast_in_dim3A_407 : f32 to vector<16xf32>
      %mul3A_409 = arith.mulf %broadcast_in_dim3A_408, %bitcast_convert_type3A_406 : vector<16xf32>
      %add3A_410 = arith.constant 0.265024304 : f32
      %add3A_411 = vector.broadcast %add3A_410 : f32 to vector<16xf32>
      %add3A_412 = arith.addf %mul3A_409, %add3A_411 : vector<16xf32>
      %mul3A_413 = arith.mulf %add3A_412, %bitcast_convert_type3A_406 : vector<16xf32>
      %add3A_414 = arith.constant -1.22929096 : f32
      %add3A_415 = vector.broadcast %add3A_414 : f32 to vector<16xf32>
      %add3A_416 = arith.addf %mul3A_413, %add3A_415 : vector<16xf32>
      %mul3A_417 = arith.mulf %add3A_416, %bitcast_convert_type3A_406 : vector<16xf32>
      %add3A_418 = arith.constant 3.21280026 : f32
      %add3A_419 = vector.broadcast %add3A_418 : f32 to vector<16xf32>
      %add3A_420 = arith.addf %mul3A_417, %add3A_419 : vector<16xf32>
      %mul3A_421 = arith.mulf %add3A_420, %bitcast_convert_type3A_406 : vector<16xf32>
      %add3A_422 = arith.constant -5.26168251 : f32
      %add3A_423 = vector.broadcast %add3A_422 : f32 to vector<16xf32>
      %add3A_424 = arith.addf %mul3A_421, %add3A_423 : vector<16xf32>
      %mul3A_425 = arith.mulf %add3A_424, %bitcast_convert_type3A_406 : vector<16xf32>
      %add3A_426 = arith.constant 6.06687164 : f32
      %add3A_427 = vector.broadcast %add3A_426 : f32 to vector<16xf32>
      %add3A_428 = arith.addf %mul3A_425, %add3A_427 : vector<16xf32>
      %mul3A_429 = arith.mulf %add3A_428, %bitcast_convert_type3A_406 : vector<16xf32>
      %add3A_430 = arith.constant -3.02915144 : f32
      %add3A_431 = vector.broadcast %add3A_430 : f32 to vector<16xf32>
      %add3A_432 = arith.addf %mul3A_429, %add3A_431 : vector<16xf32>
      %convert_element_type3A_433 = arith.sitofp %sub3A_399 : vector<16xi32> to vector<16xf32>
      %add3A_434 = arith.addf %convert_element_type3A_433, %add3A_432 : vector<16xf32>
      %mul3A_435 = arith.constant 0.693147182 : f32
      %mul3A_436 = vector.broadcast %mul3A_435 : f32 to vector<16xf32>
      %mul3A_437 = arith.mulf %add3A_434, %mul3A_436 : vector<16xf32>
      %get3A_438 = arith.index_cast %add3A_382 : i32 to index
      %get3A_439 = arith.constant 0 : index
      %get3A_440 = tpu.vector_load %arg6[%get3A_438, %get3A_439] {strides = array<i32>} : memref<64x51xf32, #tpu.memory_space<vmem>>, vector<1x16xf32>,
      %get3A_441 = vector.shape_cast %get3A_440 : vector<1x16xf32> to vector<16xf32>
      %reshape3A_442 = vector.shape_cast %max3A_66 : vector<16xi32> to vector<16x1xi32>
      %gather3A_443 = vector.shape_cast %reshape3A_442 : vector<16x1xi32> to vector<16xi32>
      %gather3A_444 = tpu.dynamic_gather %get3A_441[%gather3A_443] in [0] : vector<16xf32>, vector<16xi32> -> vector<16xf32>
      %get3A_445 = arith.index_cast %add3A_382 : i32 to index
      %get3A_446 = arith.constant 1 : index
      %get3A_447 = tpu.vector_load %arg6[%get3A_445, %get3A_446] {strides = array<i32>} : memref<64x51xf32, #tpu.memory_space<vmem>>, vector<1x16xf32>,
      %get3A_448 = vector.shape_cast %get3A_447 : vector<1x16xf32> to vector<16xf32>
      %mul3A_449 = arith.mulf %get3A_7, %get3A_441 : vector<16xf32>
      %mul3A_450 = arith.mulf %get3A_27, %get3A_448 : vector<16xf32>
      %add3A_451 = arith.addf %mul3A_449, %mul3A_450 : vector<16xf32>
      %mul3A_452 = arith.mulf %get3A_47, %gather3A_444 : vector<16xf32>
      %add3A_453 = arith.addf %add3A_451, %mul3A_452 : vector<16xf32>
      %mul3A_454 = arith.mulf %mul3A_437, %add3A_453 : vector<16xf32>
      %add3A_455 = arith.addf %scan3A_87, %mul3A_454 : vector<16xf32>
      %get3A_456 = arith.index_cast %add3A_382 : i32 to index
      %get3A_457 = arith.constant 16 : index
      %get3A_458 = tpu.vector_load %arg7[%get3A_456, %get3A_457] {strides = array<i32>} : memref<64x51xf32, #tpu.memory_space<vmem>>, vector<1x16xf32>,
      %get3A_459 = vector.shape_cast %get3A_458 : vector<1x16xf32> to vector<16xf32>
      %add3A_460 = arith.constant 1.000000e-16 : f32
      %add3A_461 = vector.broadcast %add3A_460 : f32 to vector<16xf32>
      %add3A_462 = arith.addf %get3A_459, %add3A_461 : vector<16xf32>
      %bitcast_convert_type3A_463 = tpu.bitcast %add3A_462 : vector<16xf32> -> vector<16xi32>
      %shift_right_arithmetic3A_464 = arith.constant 23 : i32
      %shift_right_arithmetic3A_465 = vector.broadcast %shift_right_arithmetic3A_464 : i32 to vector<16xi32>
      %shift_right_arithmetic3A_466 = arith.shrsi %bitcast_convert_type3A_463, %shift_right_arithmetic3A_465 : vector<16xi32>
      %and3A_467 = arith.constant 255 : i32
      %and3A_468 = vector.broadcast %and3A_467 : i32 to vector<16xi32>
      %and3A_469 = arith.andi %shift_right_arithmetic3A_466, %and3A_468 : vector<16xi32>
      %sub3A_470 = arith.constant 127 : i32
      %sub3A_471 = vector.broadcast %sub3A_470 : i32 to vector<16xi32>
      %sub3A_472 = arith.subi %and3A_469, %sub3A_471 : vector<16xi32>
      %and3A_473 = arith.constant 8388607 : i32
      %and3A_474 = vector.broadcast %and3A_473 : i32 to vector<16xi32>
      %and3A_475 = arith.andi %bitcast_convert_type3A_463, %and3A_474 : vector<16xi32>
      %or3A_476 = arith.constant 1065353216 : i32
      %or3A_477 = vector.broadcast %or3A_476 : i32 to vector<16xi32>
      %or3A_478 = arith.ori %and3A_475, %or3A_477 : vector<16xi32>
      %bitcast_convert_type3A_479 = tpu.bitcast %or3A_478 : vector<16xi32> -> vector<16xf32>
      %broadcast_in_dim3A_480 = arith.constant -0.0245685391 : f32
      %broadcast_in_dim3A_481 = vector.broadcast %broadcast_in_dim3A_480 : f32 to vector<16xf32>
      %mul3A_482 = arith.mulf %broadcast_in_dim3A_481, %bitcast_convert_type3A_479 : vector<16xf32>
      %add3A_483 = arith.constant 0.265024304 : f32
      %add3A_484 = vector.broadcast %add3A_483 : f32 to vector<16xf32>
      %add3A_485 = arith.addf %mul3A_482, %add3A_484 : vector<16xf32>
      %mul3A_486 = arith.mulf %add3A_485, %bitcast_convert_type3A_479 : vector<16xf32>
      %add3A_487 = arith.constant -1.22929096 : f32
      %add3A_488 = vector.broadcast %add3A_487 : f32 to vector<16xf32>
      %add3A_489 = arith.addf %mul3A_486, %add3A_488 : vector<16xf32>
      %mul3A_490 = arith.mulf %add3A_489, %bitcast_convert_type3A_479 : vector<16xf32>
      %add3A_491 = arith.constant 3.21280026 : f32
      %add3A_492 = vector.broadcast %add3A_491 : f32 to vector<16xf32>
      %add3A_493 = arith.addf %mul3A_490, %add3A_492 : vector<16xf32>
      %mul3A_494 = arith.mulf %add3A_493, %bitcast_convert_type3A_479 : vector<16xf32>
      %add3A_495 = arith.constant -5.26168251 : f32
      %add3A_496 = vector.broadcast %add3A_495 : f32 to vector<16xf32>
      %add3A_497 = arith.addf %mul3A_494, %add3A_496 : vector<16xf32>
      %mul3A_498 = arith.mulf %add3A_497, %bitcast_convert_type3A_479 : vector<16xf32>
      %add3A_499 = arith.constant 6.06687164 : f32
      %add3A_500 = vector.broadcast %add3A_499 : f32 to vector<16xf32>
      %add3A_501 = arith.addf %mul3A_498, %add3A_500 : vector<16xf32>
      %mul3A_502 = arith.mulf %add3A_501, %bitcast_convert_type3A_479 : vector<16xf32>
      %add3A_503 = arith.constant -3.02915144 : f32
      %add3A_504 = vector.broadcast %add3A_503 : f32 to vector<16xf32>
      %add3A_505 = arith.addf %mul3A_502, %add3A_504 : vector<16xf32>
      %convert_element_type3A_506 = arith.sitofp %sub3A_472 : vector<16xi32> to vector<16xf32>
      %add3A_507 = arith.addf %convert_element_type3A_506, %add3A_505 : vector<16xf32>
      %mul3A_508 = arith.constant 0.693147182 : f32
      %mul3A_509 = vector.broadcast %mul3A_508 : f32 to vector<16xf32>
      %mul3A_510 = arith.mulf %add3A_507, %mul3A_509 : vector<16xf32>
      %get3A_511 = arith.index_cast %add3A_382 : i32 to index
      %get3A_512 = arith.constant 16 : index
      %get3A_513 = tpu.vector_load %arg6[%get3A_511, %get3A_512] {strides = array<i32>} : memref<64x51xf32, #tpu.memory_space<vmem>>, vector<1x16xf32>,
      %get3A_514 = vector.shape_cast %get3A_513 : vector<1x16xf32> to vector<16xf32>
      %get3A_515 = arith.index_cast %add3A_382 : i32 to index
      %get3A_516 = arith.constant 15 : index
      %get3A_517 = tpu.vector_load %arg6[%get3A_515, %get3A_516] {strides = array<i32>} : memref<64x51xf32, #tpu.memory_space<vmem>>, vector<1x16xf32>,
      %get3A_518 = vector.shape_cast %get3A_517 : vector<1x16xf32> to vector<16xf32>
      %get3A_519 = arith.index_cast %add3A_382 : i32 to index
      %get3A_520 = arith.constant 17 : index
      %get3A_521 = tpu.vector_load %arg6[%get3A_519, %get3A_520] {strides = array<i32>} : memref<64x51xf32, #tpu.memory_space<vmem>>, vector<1x16xf32>,
      %get3A_522 = vector.shape_cast %get3A_521 : vector<1x16xf32> to vector<16xf32>
      %mul3A_523 = arith.mulf %get3A_12, %get3A_514 : vector<16xf32>
      %mul3A_524 = arith.mulf %get3A_32, %get3A_522 : vector<16xf32>
      %add3A_525 = arith.addf %mul3A_523, %mul3A_524 : vector<16xf32>
      %mul3A_526 = arith.mulf %get3A_52, %get3A_518 : vector<16xf32>
      %add3A_527 = arith.addf %add3A_525, %mul3A_526 : vector<16xf32>
      %mul3A_528 = arith.mulf %mul3A_510, %add3A_527 : vector<16xf32>
      %add3A_529 = arith.addf %add3A_455, %mul3A_528 : vector<16xf32>
      %get3A_530 = arith.index_cast %add3A_382 : i32 to index
      %get3A_531 = arith.constant 32 : index
      %get3A_532 = tpu.vector_load %arg7[%get3A_530, %get3A_531] {strides = array<i32>} : memref<64x51xf32, #tpu.memory_space<vmem>>, vector<1x16xf32>,
      %get3A_533 = vector.shape_cast %get3A_532 : vector<1x16xf32> to vector<16xf32>
      %add3A_534 = arith.constant 1.000000e-16 : f32
      %add3A_535 = vector.broadcast %add3A_534 : f32 to vector<16xf32>
      %add3A_536 = arith.addf %get3A_533, %add3A_535 : vector<16xf32>
      %bitcast_convert_type3A_537 = tpu.bitcast %add3A_536 : vector<16xf32> -> vector<16xi32>
      %shift_right_arithmetic3A_538 = arith.constant 23 : i32
      %shift_right_arithmetic3A_539 = vector.broadcast %shift_right_arithmetic3A_538 : i32 to vector<16xi32>
      %shift_right_arithmetic3A_540 = arith.shrsi %bitcast_convert_type3A_537, %shift_right_arithmetic3A_539 : vector<16xi32>
      %and3A_541 = arith.constant 255 : i32
      %and3A_542 = vector.broadcast %and3A_541 : i32 to vector<16xi32>
      %and3A_543 = arith.andi %shift_right_arithmetic3A_540, %and3A_542 : vector<16xi32>
      %sub3A_544 = arith.constant 127 : i32
      %sub3A_545 = vector.broadcast %sub3A_544 : i32 to vector<16xi32>
      %sub3A_546 = arith.subi %and3A_543, %sub3A_545 : vector<16xi32>
      %and3A_547 = arith.constant 8388607 : i32
      %and3A_548 = vector.broadcast %and3A_547 : i32 to vector<16xi32>
      %and3A_549 = arith.andi %bitcast_convert_type3A_537, %and3A_548 : vector<16xi32>
      %or3A_550 = arith.constant 1065353216 : i32
      %or3A_551 = vector.broadcast %or3A_550 : i32 to vector<16xi32>
      %or3A_552 = arith.ori %and3A_549, %or3A_551 : vector<16xi32>
      %bitcast_convert_type3A_553 = tpu.bitcast %or3A_552 : vector<16xi32> -> vector<16xf32>
      %broadcast_in_dim3A_554 = arith.constant -0.0245685391 : f32
      %broadcast_in_dim3A_555 = vector.broadcast %broadcast_in_dim3A_554 : f32 to vector<16xf32>
      %mul3A_556 = arith.mulf %broadcast_in_dim3A_555, %bitcast_convert_type3A_553 : vector<16xf32>
      %add3A_557 = arith.constant 0.265024304 : f32
      %add3A_558 = vector.broadcast %add3A_557 : f32 to vector<16xf32>
      %add3A_559 = arith.addf %mul3A_556, %add3A_558 : vector<16xf32>
      %mul3A_560 = arith.mulf %add3A_559, %bitcast_convert_type3A_553 : vector<16xf32>
      %add3A_561 = arith.constant -1.22929096 : f32
      %add3A_562 = vector.broadcast %add3A_561 : f32 to vector<16xf32>
      %add3A_563 = arith.addf %mul3A_560, %add3A_562 : vector<16xf32>
      %mul3A_564 = arith.mulf %add3A_563, %bitcast_convert_type3A_553 : vector<16xf32>
      %add3A_565 = arith.constant 3.21280026 : f32
      %add3A_566 = vector.broadcast %add3A_565 : f32 to vector<16xf32>
      %add3A_567 = arith.addf %mul3A_564, %add3A_566 : vector<16xf32>
      %mul3A_568 = arith.mulf %add3A_567, %bitcast_convert_type3A_553 : vector<16xf32>
      %add3A_569 = arith.constant -5.26168251 : f32
      %add3A_570 = vector.broadcast %add3A_569 : f32 to vector<16xf32>
      %add3A_571 = arith.addf %mul3A_568, %add3A_570 : vector<16xf32>
      %mul3A_572 = arith.mulf %add3A_571, %bitcast_convert_type3A_553 : vector<16xf32>
      %add3A_573 = arith.constant 6.06687164 : f32
      %add3A_574 = vector.broadcast %add3A_573 : f32 to vector<16xf32>
      %add3A_575 = arith.addf %mul3A_572, %add3A_574 : vector<16xf32>
      %mul3A_576 = arith.mulf %add3A_575, %bitcast_convert_type3A_553 : vector<16xf32>
      %add3A_577 = arith.constant -3.02915144 : f32
      %add3A_578 = vector.broadcast %add3A_577 : f32 to vector<16xf32>
      %add3A_579 = arith.addf %mul3A_576, %add3A_578 : vector<16xf32>
      %convert_element_type3A_580 = arith.sitofp %sub3A_546 : vector<16xi32> to vector<16xf32>
      %add3A_581 = arith.addf %convert_element_type3A_580, %add3A_579 : vector<16xf32>
      %mul3A_582 = arith.constant 0.693147182 : f32
      %mul3A_583 = vector.broadcast %mul3A_582 : f32 to vector<16xf32>
      %mul3A_584 = arith.mulf %add3A_581, %mul3A_583 : vector<16xf32>
      %get3A_585 = arith.index_cast %add3A_382 : i32 to index
      %get3A_586 = arith.constant 32 : index
      %get3A_587 = tpu.vector_load %arg6[%get3A_585, %get3A_586] {strides = array<i32>} : memref<64x51xf32, #tpu.memory_space<vmem>>, vector<1x16xf32>,
      %get3A_588 = vector.shape_cast %get3A_587 : vector<1x16xf32> to vector<16xf32>
      %get3A_589 = arith.index_cast %add3A_382 : i32 to index
      %get3A_590 = arith.constant 31 : index
      %get3A_591 = tpu.vector_load %arg6[%get3A_589, %get3A_590] {strides = array<i32>} : memref<64x51xf32, #tpu.memory_space<vmem>>, vector<1x16xf32>,
      %get3A_592 = vector.shape_cast %get3A_591 : vector<1x16xf32> to vector<16xf32>
      %get3A_593 = arith.index_cast %add3A_382 : i32 to index
      %get3A_594 = arith.constant 33 : index
      %get3A_595 = tpu.vector_load %arg6[%get3A_593, %get3A_594] {strides = array<i32>} : memref<64x51xf32, #tpu.memory_space<vmem>>, vector<1x16xf32>,
      %get3A_596 = vector.shape_cast %get3A_595 : vector<1x16xf32> to vector<16xf32>
      %mul3A_597 = arith.mulf %get3A_17, %get3A_588 : vector<16xf32>
      %mul3A_598 = arith.mulf %get3A_37, %get3A_596 : vector<16xf32>
      %add3A_599 = arith.addf %mul3A_597, %mul3A_598 : vector<16xf32>
      %mul3A_600 = arith.mulf %get3A_57, %get3A_592 : vector<16xf32>
      %add3A_601 = arith.addf %add3A_599, %mul3A_600 : vector<16xf32>
      %mul3A_602 = arith.mulf %mul3A_584, %add3A_601 : vector<16xf32>
      %add3A_603 = arith.addf %add3A_529, %mul3A_602 : vector<16xf32>
      %get3A_604 = arith.index_cast %add3A_382 : i32 to index
      %get3A_605 = arith.constant 35 : index
      %get3A_606 = tpu.vector_load %arg7[%get3A_604, %get3A_605] {strides = array<i32>} : memref<64x51xf32, #tpu.memory_space<vmem>>, vector<1x16xf32>,
      %get3A_607 = vector.shape_cast %get3A_606 : vector<1x16xf32> to vector<16xf32>
      %add3A_608 = arith.constant 1.000000e-16 : f32
      %add3A_609 = vector.broadcast %add3A_608 : f32 to vector<16xf32>
      %add3A_610 = arith.addf %get3A_607, %add3A_609 : vector<16xf32>
      %bitcast_convert_type3A_611 = tpu.bitcast %add3A_610 : vector<16xf32> -> vector<16xi32>
      %shift_right_arithmetic3A_612 = arith.constant 23 : i32
      %shift_right_arithmetic3A_613 = vector.broadcast %shift_right_arithmetic3A_612 : i32 to vector<16xi32>
      %shift_right_arithmetic3A_614 = arith.shrsi %bitcast_convert_type3A_611, %shift_right_arithmetic3A_613 : vector<16xi32>
      %and3A_615 = arith.constant 255 : i32
      %and3A_616 = vector.broadcast %and3A_615 : i32 to vector<16xi32>
      %and3A_617 = arith.andi %shift_right_arithmetic3A_614, %and3A_616 : vector<16xi32>
      %sub3A_618 = arith.constant 127 : i32
      %sub3A_619 = vector.broadcast %sub3A_618 : i32 to vector<16xi32>
      %sub3A_620 = arith.subi %and3A_617, %sub3A_619 : vector<16xi32>
      %and3A_621 = arith.constant 8388607 : i32
      %and3A_622 = vector.broadcast %and3A_621 : i32 to vector<16xi32>
      %and3A_623 = arith.andi %bitcast_convert_type3A_611, %and3A_622 : vector<16xi32>
      %or3A_624 = arith.constant 1065353216 : i32
      %or3A_625 = vector.broadcast %or3A_624 : i32 to vector<16xi32>
      %or3A_626 = arith.ori %and3A_623, %or3A_625 : vector<16xi32>
      %bitcast_convert_type3A_627 = tpu.bitcast %or3A_626 : vector<16xi32> -> vector<16xf32>
      %broadcast_in_dim3A_628 = arith.constant -0.0245685391 : f32
      %broadcast_in_dim3A_629 = vector.broadcast %broadcast_in_dim3A_628 : f32 to vector<16xf32>
      %mul3A_630 = arith.mulf %broadcast_in_dim3A_629, %bitcast_convert_type3A_627 : vector<16xf32>
      %add3A_631 = arith.constant 0.265024304 : f32
      %add3A_632 = vector.broadcast %add3A_631 : f32 to vector<16xf32>
      %add3A_633 = arith.addf %mul3A_630, %add3A_632 : vector<16xf32>
      %mul3A_634 = arith.mulf %add3A_633, %bitcast_convert_type3A_627 : vector<16xf32>
      %add3A_635 = arith.constant -1.22929096 : f32
      %add3A_636 = vector.broadcast %add3A_635 : f32 to vector<16xf32>
      %add3A_637 = arith.addf %mul3A_634, %add3A_636 : vector<16xf32>
      %mul3A_638 = arith.mulf %add3A_637, %bitcast_convert_type3A_627 : vector<16xf32>
      %add3A_639 = arith.constant 3.21280026 : f32
      %add3A_640 = vector.broadcast %add3A_639 : f32 to vector<16xf32>
      %add3A_641 = arith.addf %mul3A_638, %add3A_640 : vector<16xf32>
      %mul3A_642 = arith.mulf %add3A_641, %bitcast_convert_type3A_627 : vector<16xf32>
      %add3A_643 = arith.constant -5.26168251 : f32
      %add3A_644 = vector.broadcast %add3A_643 : f32 to vector<16xf32>
      %add3A_645 = arith.addf %mul3A_642, %add3A_644 : vector<16xf32>
      %mul3A_646 = arith.mulf %add3A_645, %bitcast_convert_type3A_627 : vector<16xf32>
      %add3A_647 = arith.constant 6.06687164 : f32
      %add3A_648 = vector.broadcast %add3A_647 : f32 to vector<16xf32>
      %add3A_649 = arith.addf %mul3A_646, %add3A_648 : vector<16xf32>
      %mul3A_650 = arith.mulf %add3A_649, %bitcast_convert_type3A_627 : vector<16xf32>
      %add3A_651 = arith.constant -3.02915144 : f32
      %add3A_652 = vector.broadcast %add3A_651 : f32 to vector<16xf32>
      %add3A_653 = arith.addf %mul3A_650, %add3A_652 : vector<16xf32>
      %convert_element_type3A_654 = arith.sitofp %sub3A_620 : vector<16xi32> to vector<16xf32>
      %add3A_655 = arith.addf %convert_element_type3A_654, %add3A_653 : vector<16xf32>
      %mul3A_656 = arith.constant 0.693147182 : f32
      %mul3A_657 = vector.broadcast %mul3A_656 : f32 to vector<16xf32>
      %mul3A_658 = arith.mulf %add3A_655, %mul3A_657 : vector<16xf32>
      %get3A_659 = arith.index_cast %add3A_382 : i32 to index
      %get3A_660 = arith.constant 35 : index
      %get3A_661 = tpu.vector_load %arg6[%get3A_659, %get3A_660] {strides = array<i32>} : memref<64x51xf32, #tpu.memory_space<vmem>>, vector<1x16xf32>,
      %get3A_662 = vector.shape_cast %get3A_661 : vector<1x16xf32> to vector<16xf32>
      %get3A_663 = arith.index_cast %add3A_382 : i32 to index
      %get3A_664 = arith.constant 34 : index
      %get3A_665 = tpu.vector_load %arg6[%get3A_663, %get3A_664] {strides = array<i32>} : memref<64x51xf32, #tpu.memory_space<vmem>>, vector<1x16xf32>,
      %get3A_666 = vector.shape_cast %get3A_665 : vector<1x16xf32> to vector<16xf32>
      %reshape3A_667 = vector.shape_cast %min3A_71 : vector<16xi32> to vector<16x1xi32>
      %gather3A_668 = vector.shape_cast %reshape3A_667 : vector<16x1xi32> to vector<16xi32>
      %gather3A_669 = tpu.dynamic_gather %get3A_662[%gather3A_668] in [0] : vector<16xf32>, vector<16xi32> -> vector<16xf32>
      %mul3A_670 = arith.mulf %get3A_22, %get3A_662 : vector<16xf32>
      %mul3A_671 = arith.mulf %get3A_42, %gather3A_669 : vector<16xf32>
      %add3A_672 = arith.addf %mul3A_670, %mul3A_671 : vector<16xf32>
      %mul3A_673 = arith.mulf %get3A_62, %get3A_666 : vector<16xf32>
      %add3A_674 = arith.addf %add3A_672, %mul3A_673 : vector<16xf32>
      %mul3A_675 = arith.mulf %mul3A_658, %add3A_674 : vector<16xf32>
      %add3A_676 = arith.addf %add3A_603, %mul3A_675 : vector<16xf32>
      %add3A_677 = arith.constant 2 : i32
      %add3A_678 = arith.addi %mul3A_91, %add3A_677 : i32
      %get3A_679 = arith.index_cast %add3A_678 : i32 to index
      %get3A_680 = arith.constant 0 : index
      %get3A_681 = tpu.vector_load %arg7[%get3A_679, %get3A_680] {strides = array<i32>} : memref<64x51xf32, #tpu.memory_space<vmem>>, vector<1x16xf32>,
      %get3A_682 = vector.shape_cast %get3A_681 : vector<1x16xf32> to vector<16xf32>
      %add3A_683 = arith.constant 1.000000e-16 : f32
      %add3A_684 = vector.broadcast %add3A_683 : f32 to vector<16xf32>
      %add3A_685 = arith.addf %get3A_682, %add3A_684 : vector<16xf32>
      %bitcast_convert_type3A_686 = tpu.bitcast %add3A_685 : vector<16xf32> -> vector<16xi32>
      %shift_right_arithmetic3A_687 = arith.constant 23 : i32
      %shift_right_arithmetic3A_688 = vector.broadcast %shift_right_arithmetic3A_687 : i32 to vector<16xi32>
      %shift_right_arithmetic3A_689 = arith.shrsi %bitcast_convert_type3A_686, %shift_right_arithmetic3A_688 : vector<16xi32>
      %and3A_690 = arith.constant 255 : i32
      %and3A_691 = vector.broadcast %and3A_690 : i32 to vector<16xi32>
      %and3A_692 = arith.andi %shift_right_arithmetic3A_689, %and3A_691 : vector<16xi32>
      %sub3A_693 = arith.constant 127 : i32
      %sub3A_694 = vector.broadcast %sub3A_693 : i32 to vector<16xi32>
      %sub3A_695 = arith.subi %and3A_692, %sub3A_694 : vector<16xi32>
      %and3A_696 = arith.constant 8388607 : i32
      %and3A_697 = vector.broadcast %and3A_696 : i32 to vector<16xi32>
      %and3A_698 = arith.andi %bitcast_convert_type3A_686, %and3A_697 : vector<16xi32>
      %or3A_699 = arith.constant 1065353216 : i32
      %or3A_700 = vector.broadcast %or3A_699 : i32 to vector<16xi32>
      %or3A_701 = arith.ori %and3A_698, %or3A_700 : vector<16xi32>
      %bitcast_convert_type3A_702 = tpu.bitcast %or3A_701 : vector<16xi32> -> vector<16xf32>
      %broadcast_in_dim3A_703 = arith.constant -0.0245685391 : f32
      %broadcast_in_dim3A_704 = vector.broadcast %broadcast_in_dim3A_703 : f32 to vector<16xf32>
      %mul3A_705 = arith.mulf %broadcast_in_dim3A_704, %bitcast_convert_type3A_702 : vector<16xf32>
      %add3A_706 = arith.constant 0.265024304 : f32
      %add3A_707 = vector.broadcast %add3A_706 : f32 to vector<16xf32>
      %add3A_708 = arith.addf %mul3A_705, %add3A_707 : vector<16xf32>
      %mul3A_709 = arith.mulf %add3A_708, %bitcast_convert_type3A_702 : vector<16xf32>
      %add3A_710 = arith.constant -1.22929096 : f32
      %add3A_711 = vector.broadcast %add3A_710 : f32 to vector<16xf32>
      %add3A_712 = arith.addf %mul3A_709, %add3A_711 : vector<16xf32>
      %mul3A_713 = arith.mulf %add3A_712, %bitcast_convert_type3A_702 : vector<16xf32>
      %add3A_714 = arith.constant 3.21280026 : f32
      %add3A_715 = vector.broadcast %add3A_714 : f32 to vector<16xf32>
      %add3A_716 = arith.addf %mul3A_713, %add3A_715 : vector<16xf32>
      %mul3A_717 = arith.mulf %add3A_716, %bitcast_convert_type3A_702 : vector<16xf32>
      %add3A_718 = arith.constant -5.26168251 : f32
      %add3A_719 = vector.broadcast %add3A_718 : f32 to vector<16xf32>
      %add3A_720 = arith.addf %mul3A_717, %add3A_719 : vector<16xf32>
      %mul3A_721 = arith.mulf %add3A_720, %bitcast_convert_type3A_702 : vector<16xf32>
      %add3A_722 = arith.constant 6.06687164 : f32
      %add3A_723 = vector.broadcast %add3A_722 : f32 to vector<16xf32>
      %add3A_724 = arith.addf %mul3A_721, %add3A_723 : vector<16xf32>
      %mul3A_725 = arith.mulf %add3A_724, %bitcast_convert_type3A_702 : vector<16xf32>
      %add3A_726 = arith.constant -3.02915144 : f32
      %add3A_727 = vector.broadcast %add3A_726 : f32 to vector<16xf32>
      %add3A_728 = arith.addf %mul3A_725, %add3A_727 : vector<16xf32>
      %convert_element_type3A_729 = arith.sitofp %sub3A_695 : vector<16xi32> to vector<16xf32>
      %add3A_730 = arith.addf %convert_element_type3A_729, %add3A_728 : vector<16xf32>
      %mul3A_731 = arith.constant 0.693147182 : f32
      %mul3A_732 = vector.broadcast %mul3A_731 : f32 to vector<16xf32>
      %mul3A_733 = arith.mulf %add3A_730, %mul3A_732 : vector<16xf32>
      %get3A_734 = arith.index_cast %add3A_678 : i32 to index
      %get3A_735 = arith.constant 0 : index
      %get3A_736 = tpu.vector_load %arg6[%get3A_734, %get3A_735] {strides = array<i32>} : memref<64x51xf32, #tpu.memory_space<vmem>>, vector<1x16xf32>,
      %get3A_737 = vector.shape_cast %get3A_736 : vector<1x16xf32> to vector<16xf32>
      %reshape3A_738 = vector.shape_cast %max3A_66 : vector<16xi32> to vector<16x1xi32>
      %gather3A_739 = vector.shape_cast %reshape3A_738 : vector<16x1xi32> to vector<16xi32>
      %gather3A_740 = tpu.dynamic_gather %get3A_737[%gather3A_739] in [0] : vector<16xf32>, vector<16xi32> -> vector<16xf32>
      %get3A_741 = arith.index_cast %add3A_678 : i32 to index
      %get3A_742 = arith.constant 1 : index
      %get3A_743 = tpu.vector_load %arg6[%get3A_741, %get3A_742] {strides = array<i32>} : memref<64x51xf32, #tpu.memory_space<vmem>>, vector<1x16xf32>,
      %get3A_744 = vector.shape_cast %get3A_743 : vector<1x16xf32> to vector<16xf32>
      %mul3A_745 = arith.mulf %get3A_7, %get3A_737 : vector<16xf32>
      %mul3A_746 = arith.mulf %get3A_27, %get3A_744 : vector<16xf32>
      %add3A_747 = arith.addf %mul3A_745, %mul3A_746 : vector<16xf32>
      %mul3A_748 = arith.mulf %get3A_47, %gather3A_740 : vector<16xf32>
      %add3A_749 = arith.addf %add3A_747, %mul3A_748 : vector<16xf32>
      %mul3A_750 = arith.mulf %mul3A_733, %add3A_749 : vector<16xf32>
      %add3A_751 = arith.addf %scan3A_88, %mul3A_750 : vector<16xf32>
      %get3A_752 = arith.index_cast %add3A_678 : i32 to index
      %get3A_753 = arith.constant 16 : index
      %get3A_754 = tpu.vector_load %arg7[%get3A_752, %get3A_753] {strides = array<i32>} : memref<64x51xf32, #tpu.memory_space<vmem>>, vector<1x16xf32>,
      %get3A_755 = vector.shape_cast %get3A_754 : vector<1x16xf32> to vector<16xf32>
      %add3A_756 = arith.constant 1.000000e-16 : f32
      %add3A_757 = vector.broadcast %add3A_756 : f32 to vector<16xf32>
      %add3A_758 = arith.addf %get3A_755, %add3A_757 : vector<16xf32>
      %bitcast_convert_type3A_759 = tpu.bitcast %add3A_758 : vector<16xf32> -> vector<16xi32>
      %shift_right_arithmetic3A_760 = arith.constant 23 : i32
      %shift_right_arithmetic3A_761 = vector.broadcast %shift_right_arithmetic3A_760 : i32 to vector<16xi32>
      %shift_right_arithmetic3A_762 = arith.shrsi %bitcast_convert_type3A_759, %shift_right_arithmetic3A_761 : vector<16xi32>
      %and3A_763 = arith.constant 255 : i32
      %and3A_764 = vector.broadcast %and3A_763 : i32 to vector<16xi32>
      %and3A_765 = arith.andi %shift_right_arithmetic3A_762, %and3A_764 : vector<16xi32>
      %sub3A_766 = arith.constant 127 : i32
      %sub3A_767 = vector.broadcast %sub3A_766 : i32 to vector<16xi32>
      %sub3A_768 = arith.subi %and3A_765, %sub3A_767 : vector<16xi32>
      %and3A_769 = arith.constant 8388607 : i32
      %and3A_770 = vector.broadcast %and3A_769 : i32 to vector<16xi32>
      %and3A_771 = arith.andi %bitcast_convert_type3A_759, %and3A_770 : vector<16xi32>
      %or3A_772 = arith.constant 1065353216 : i32
      %or3A_773 = vector.broadcast %or3A_772 : i32 to vector<16xi32>
      %or3A_774 = arith.ori %and3A_771, %or3A_773 : vector<16xi32>
      %bitcast_convert_type3A_775 = tpu.bitcast %or3A_774 : vector<16xi32> -> vector<16xf32>
      %broadcast_in_dim3A_776 = arith.constant -0.0245685391 : f32
      %broadcast_in_dim3A_777 = vector.broadcast %broadcast_in_dim3A_776 : f32 to vector<16xf32>
      %mul3A_778 = arith.mulf %broadcast_in_dim3A_777, %bitcast_convert_type3A_775 : vector<16xf32>
      %add3A_779 = arith.constant 0.265024304 : f32
      %add3A_780 = vector.broadcast %add3A_779 : f32 to vector<16xf32>
      %add3A_781 = arith.addf %mul3A_778, %add3A_780 : vector<16xf32>
      %mul3A_782 = arith.mulf %add3A_781, %bitcast_convert_type3A_775 : vector<16xf32>
      %add3A_783 = arith.constant -1.22929096 : f32
      %add3A_784 = vector.broadcast %add3A_783 : f32 to vector<16xf32>
      %add3A_785 = arith.addf %mul3A_782, %add3A_784 : vector<16xf32>
      %mul3A_786 = arith.mulf %add3A_785, %bitcast_convert_type3A_775 : vector<16xf32>
      %add3A_787 = arith.constant 3.21280026 : f32
      %add3A_788 = vector.broadcast %add3A_787 : f32 to vector<16xf32>
      %add3A_789 = arith.addf %mul3A_786, %add3A_788 : vector<16xf32>
      %mul3A_790 = arith.mulf %add3A_789, %bitcast_convert_type3A_775 : vector<16xf32>
      %add3A_791 = arith.constant -5.26168251 : f32
      %add3A_792 = vector.broadcast %add3A_791 : f32 to vector<16xf32>
      %add3A_793 = arith.addf %mul3A_790, %add3A_792 : vector<16xf32>
      %mul3A_794 = arith.mulf %add3A_793, %bitcast_convert_type3A_775 : vector<16xf32>
      %add3A_795 = arith.constant 6.06687164 : f32
      %add3A_796 = vector.broadcast %add3A_795 : f32 to vector<16xf32>
      %add3A_797 = arith.addf %mul3A_794, %add3A_796 : vector<16xf32>
      %mul3A_798 = arith.mulf %add3A_797, %bitcast_convert_type3A_775 : vector<16xf32>
      %add3A_799 = arith.constant -3.02915144 : f32
      %add3A_800 = vector.broadcast %add3A_799 : f32 to vector<16xf32>
      %add3A_801 = arith.addf %mul3A_798, %add3A_800 : vector<16xf32>
      %convert_element_type3A_802 = arith.sitofp %sub3A_768 : vector<16xi32> to vector<16xf32>
      %add3A_803 = arith.addf %convert_element_type3A_802, %add3A_801 : vector<16xf32>
      %mul3A_804 = arith.constant 0.693147182 : f32
      %mul3A_805 = vector.broadcast %mul3A_804 : f32 to vector<16xf32>
      %mul3A_806 = arith.mulf %add3A_803, %mul3A_805 : vector<16xf32>
      %get3A_807 = arith.index_cast %add3A_678 : i32 to index
      %get3A_808 = arith.constant 16 : index
      %get3A_809 = tpu.vector_load %arg6[%get3A_807, %get3A_808] {strides = array<i32>} : memref<64x51xf32, #tpu.memory_space<vmem>>, vector<1x16xf32>,
      %get3A_810 = vector.shape_cast %get3A_809 : vector<1x16xf32> to vector<16xf32>
      %get3A_811 = arith.index_cast %add3A_678 : i32 to index
      %get3A_812 = arith.constant 15 : index
      %get3A_813 = tpu.vector_load %arg6[%get3A_811, %get3A_812] {strides = array<i32>} : memref<64x51xf32, #tpu.memory_space<vmem>>, vector<1x16xf32>,
      %get3A_814 = vector.shape_cast %get3A_813 : vector<1x16xf32> to vector<16xf32>
      %get3A_815 = arith.index_cast %add3A_678 : i32 to index
      %get3A_816 = arith.constant 17 : index
      %get3A_817 = tpu.vector_load %arg6[%get3A_815, %get3A_816] {strides = array<i32>} : memref<64x51xf32, #tpu.memory_space<vmem>>, vector<1x16xf32>,
      %get3A_818 = vector.shape_cast %get3A_817 : vector<1x16xf32> to vector<16xf32>
      %mul3A_819 = arith.mulf %get3A_12, %get3A_810 : vector<16xf32>
      %mul3A_820 = arith.mulf %get3A_32, %get3A_818 : vector<16xf32>
      %add3A_821 = arith.addf %mul3A_819, %mul3A_820 : vector<16xf32>
      %mul3A_822 = arith.mulf %get3A_52, %get3A_814 : vector<16xf32>
      %add3A_823 = arith.addf %add3A_821, %mul3A_822 : vector<16xf32>
      %mul3A_824 = arith.mulf %mul3A_806, %add3A_823 : vector<16xf32>
      %add3A_825 = arith.addf %add3A_751, %mul3A_824 : vector<16xf32>
      %get3A_826 = arith.index_cast %add3A_678 : i32 to index
      %get3A_827 = arith.constant 32 : index
      %get3A_828 = tpu.vector_load %arg7[%get3A_826, %get3A_827] {strides = array<i32>} : memref<64x51xf32, #tpu.memory_space<vmem>>, vector<1x16xf32>,
      %get3A_829 = vector.shape_cast %get3A_828 : vector<1x16xf32> to vector<16xf32>
      %add3A_830 = arith.constant 1.000000e-16 : f32
      %add3A_831 = vector.broadcast %add3A_830 : f32 to vector<16xf32>
      %add3A_832 = arith.addf %get3A_829, %add3A_831 : vector<16xf32>
      %bitcast_convert_type3A_833 = tpu.bitcast %add3A_832 : vector<16xf32> -> vector<16xi32>
      %shift_right_arithmetic3A_834 = arith.constant 23 : i32
      %shift_right_arithmetic3A_835 = vector.broadcast %shift_right_arithmetic3A_834 : i32 to vector<16xi32>
      %shift_right_arithmetic3A_836 = arith.shrsi %bitcast_convert_type3A_833, %shift_right_arithmetic3A_835 : vector<16xi32>
      %and3A_837 = arith.constant 255 : i32
      %and3A_838 = vector.broadcast %and3A_837 : i32 to vector<16xi32>
      %and3A_839 = arith.andi %shift_right_arithmetic3A_836, %and3A_838 : vector<16xi32>
      %sub3A_840 = arith.constant 127 : i32
      %sub3A_841 = vector.broadcast %sub3A_840 : i32 to vector<16xi32>
      %sub3A_842 = arith.subi %and3A_839, %sub3A_841 : vector<16xi32>
      %and3A_843 = arith.constant 8388607 : i32
      %and3A_844 = vector.broadcast %and3A_843 : i32 to vector<16xi32>
      %and3A_845 = arith.andi %bitcast_convert_type3A_833, %and3A_844 : vector<16xi32>
      %or3A_846 = arith.constant 1065353216 : i32
      %or3A_847 = vector.broadcast %or3A_846 : i32 to vector<16xi32>
      %or3A_848 = arith.ori %and3A_845, %or3A_847 : vector<16xi32>
      %bitcast_convert_type3A_849 = tpu.bitcast %or3A_848 : vector<16xi32> -> vector<16xf32>
      %broadcast_in_dim3A_850 = arith.constant -0.0245685391 : f32
      %broadcast_in_dim3A_851 = vector.broadcast %broadcast_in_dim3A_850 : f32 to vector<16xf32>
      %mul3A_852 = arith.mulf %broadcast_in_dim3A_851, %bitcast_convert_type3A_849 : vector<16xf32>
      %add3A_853 = arith.constant 0.265024304 : f32
      %add3A_854 = vector.broadcast %add3A_853 : f32 to vector<16xf32>
      %add3A_855 = arith.addf %mul3A_852, %add3A_854 : vector<16xf32>
      %mul3A_856 = arith.mulf %add3A_855, %bitcast_convert_type3A_849 : vector<16xf32>
      %add3A_857 = arith.constant -1.22929096 : f32
      %add3A_858 = vector.broadcast %add3A_857 : f32 to vector<16xf32>
      %add3A_859 = arith.addf %mul3A_856, %add3A_858 : vector<16xf32>
      %mul3A_860 = arith.mulf %add3A_859, %bitcast_convert_type3A_849 : vector<16xf32>
      %add3A_861 = arith.constant 3.21280026 : f32
      %add3A_862 = vector.broadcast %add3A_861 : f32 to vector<16xf32>
      %add3A_863 = arith.addf %mul3A_860, %add3A_862 : vector<16xf32>
      %mul3A_864 = arith.mulf %add3A_863, %bitcast_convert_type3A_849 : vector<16xf32>
      %add3A_865 = arith.constant -5.26168251 : f32
      %add3A_866 = vector.broadcast %add3A_865 : f32 to vector<16xf32>
      %add3A_867 = arith.addf %mul3A_864, %add3A_866 : vector<16xf32>
      %mul3A_868 = arith.mulf %add3A_867, %bitcast_convert_type3A_849 : vector<16xf32>
      %add3A_869 = arith.constant 6.06687164 : f32
      %add3A_870 = vector.broadcast %add3A_869 : f32 to vector<16xf32>
      %add3A_871 = arith.addf %mul3A_868, %add3A_870 : vector<16xf32>
      %mul3A_872 = arith.mulf %add3A_871, %bitcast_convert_type3A_849 : vector<16xf32>
      %add3A_873 = arith.constant -3.02915144 : f32
      %add3A_874 = vector.broadcast %add3A_873 : f32 to vector<16xf32>
      %add3A_875 = arith.addf %mul3A_872, %add3A_874 : vector<16xf32>
      %convert_element_type3A_876 = arith.sitofp %sub3A_842 : vector<16xi32> to vector<16xf32>
      %add3A_877 = arith.addf %convert_element_type3A_876, %add3A_875 : vector<16xf32>
      %mul3A_878 = arith.constant 0.693147182 : f32
      %mul3A_879 = vector.broadcast %mul3A_878 : f32 to vector<16xf32>
      %mul3A_880 = arith.mulf %add3A_877, %mul3A_879 : vector<16xf32>
      %get3A_881 = arith.index_cast %add3A_678 : i32 to index
      %get3A_882 = arith.constant 32 : index
      %get3A_883 = tpu.vector_load %arg6[%get3A_881, %get3A_882] {strides = array<i32>} : memref<64x51xf32, #tpu.memory_space<vmem>>, vector<1x16xf32>,
      %get3A_884 = vector.shape_cast %get3A_883 : vector<1x16xf32> to vector<16xf32>
      %get3A_885 = arith.index_cast %add3A_678 : i32 to index
      %get3A_886 = arith.constant 31 : index
      %get3A_887 = tpu.vector_load %arg6[%get3A_885, %get3A_886] {strides = array<i32>} : memref<64x51xf32, #tpu.memory_space<vmem>>, vector<1x16xf32>,
      %get3A_888 = vector.shape_cast %get3A_887 : vector<1x16xf32> to vector<16xf32>
      %get3A_889 = arith.index_cast %add3A_678 : i32 to index
      %get3A_890 = arith.constant 33 : index
      %get3A_891 = tpu.vector_load %arg6[%get3A_889, %get3A_890] {strides = array<i32>} : memref<64x51xf32, #tpu.memory_space<vmem>>, vector<1x16xf32>,
      %get3A_892 = vector.shape_cast %get3A_891 : vector<1x16xf32> to vector<16xf32>
      %mul3A_893 = arith.mulf %get3A_17, %get3A_884 : vector<16xf32>
      %mul3A_894 = arith.mulf %get3A_37, %get3A_892 : vector<16xf32>
      %add3A_895 = arith.addf %mul3A_893, %mul3A_894 : vector<16xf32>
      %mul3A_896 = arith.mulf %get3A_57, %get3A_888 : vector<16xf32>
      %add3A_897 = arith.addf %add3A_895, %mul3A_896 : vector<16xf32>
      %mul3A_898 = arith.mulf %mul3A_880, %add3A_897 : vector<16xf32>
      %add3A_899 = arith.addf %add3A_825, %mul3A_898 : vector<16xf32>
      %get3A_900 = arith.index_cast %add3A_678 : i32 to index
      %get3A_901 = arith.constant 35 : index
      %get3A_902 = tpu.vector_load %arg7[%get3A_900, %get3A_901] {strides = array<i32>} : memref<64x51xf32, #tpu.memory_space<vmem>>, vector<1x16xf32>,
      %get3A_903 = vector.shape_cast %get3A_902 : vector<1x16xf32> to vector<16xf32>
      %add3A_904 = arith.constant 1.000000e-16 : f32
      %add3A_905 = vector.broadcast %add3A_904 : f32 to vector<16xf32>
      %add3A_906 = arith.addf %get3A_903, %add3A_905 : vector<16xf32>
      %bitcast_convert_type3A_907 = tpu.bitcast %add3A_906 : vector<16xf32> -> vector<16xi32>
      %shift_right_arithmetic3A_908 = arith.constant 23 : i32
      %shift_right_arithmetic3A_909 = vector.broadcast %shift_right_arithmetic3A_908 : i32 to vector<16xi32>
      %shift_right_arithmetic3A_910 = arith.shrsi %bitcast_convert_type3A_907, %shift_right_arithmetic3A_909 : vector<16xi32>
      %and3A_911 = arith.constant 255 : i32
      %and3A_912 = vector.broadcast %and3A_911 : i32 to vector<16xi32>
      %and3A_913 = arith.andi %shift_right_arithmetic3A_910, %and3A_912 : vector<16xi32>
      %sub3A_914 = arith.constant 127 : i32
      %sub3A_915 = vector.broadcast %sub3A_914 : i32 to vector<16xi32>
      %sub3A_916 = arith.subi %and3A_913, %sub3A_915 : vector<16xi32>
      %and3A_917 = arith.constant 8388607 : i32
      %and3A_918 = vector.broadcast %and3A_917 : i32 to vector<16xi32>
      %and3A_919 = arith.andi %bitcast_convert_type3A_907, %and3A_918 : vector<16xi32>
      %or3A_920 = arith.constant 1065353216 : i32
      %or3A_921 = vector.broadcast %or3A_920 : i32 to vector<16xi32>
      %or3A_922 = arith.ori %and3A_919, %or3A_921 : vector<16xi32>
      %bitcast_convert_type3A_923 = tpu.bitcast %or3A_922 : vector<16xi32> -> vector<16xf32>
      %broadcast_in_dim3A_924 = arith.constant -0.0245685391 : f32
      %broadcast_in_dim3A_925 = vector.broadcast %broadcast_in_dim3A_924 : f32 to vector<16xf32>
      %mul3A_926 = arith.mulf %broadcast_in_dim3A_925, %bitcast_convert_type3A_923 : vector<16xf32>
      %add3A_927 = arith.constant 0.265024304 : f32
      %add3A_928 = vector.broadcast %add3A_927 : f32 to vector<16xf32>
      %add3A_929 = arith.addf %mul3A_926, %add3A_928 : vector<16xf32>
      %mul3A_930 = arith.mulf %add3A_929, %bitcast_convert_type3A_923 : vector<16xf32>
      %add3A_931 = arith.constant -1.22929096 : f32
      %add3A_932 = vector.broadcast %add3A_931 : f32 to vector<16xf32>
      %add3A_933 = arith.addf %mul3A_930, %add3A_932 : vector<16xf32>
      %mul3A_934 = arith.mulf %add3A_933, %bitcast_convert_type3A_923 : vector<16xf32>
      %add3A_935 = arith.constant 3.21280026 : f32
      %add3A_936 = vector.broadcast %add3A_935 : f32 to vector<16xf32>
      %add3A_937 = arith.addf %mul3A_934, %add3A_936 : vector<16xf32>
      %mul3A_938 = arith.mulf %add3A_937, %bitcast_convert_type3A_923 : vector<16xf32>
      %add3A_939 = arith.constant -5.26168251 : f32
      %add3A_940 = vector.broadcast %add3A_939 : f32 to vector<16xf32>
      %add3A_941 = arith.addf %mul3A_938, %add3A_940 : vector<16xf32>
      %mul3A_942 = arith.mulf %add3A_941, %bitcast_convert_type3A_923 : vector<16xf32>
      %add3A_943 = arith.constant 6.06687164 : f32
      %add3A_944 = vector.broadcast %add3A_943 : f32 to vector<16xf32>
      %add3A_945 = arith.addf %mul3A_942, %add3A_944 : vector<16xf32>
      %mul3A_946 = arith.mulf %add3A_945, %bitcast_convert_type3A_923 : vector<16xf32>
      %add3A_947 = arith.constant -3.02915144 : f32
      %add3A_948 = vector.broadcast %add3A_947 : f32 to vector<16xf32>
      %add3A_949 = arith.addf %mul3A_946, %add3A_948 : vector<16xf32>
      %convert_element_type3A_950 = arith.sitofp %sub3A_916 : vector<16xi32> to vector<16xf32>
      %add3A_951 = arith.addf %convert_element_type3A_950, %add3A_949 : vector<16xf32>
      %mul3A_952 = arith.constant 0.693147182 : f32
      %mul3A_953 = vector.broadcast %mul3A_952 : f32 to vector<16xf32>
      %mul3A_954 = arith.mulf %add3A_951, %mul3A_953 : vector<16xf32>
      %get3A_955 = arith.index_cast %add3A_678 : i32 to index
      %get3A_956 = arith.constant 35 : index
      %get3A_957 = tpu.vector_load %arg6[%get3A_955, %get3A_956] {strides = array<i32>} : memref<64x51xf32, #tpu.memory_space<vmem>>, vector<1x16xf32>,
      %get3A_958 = vector.shape_cast %get3A_957 : vector<1x16xf32> to vector<16xf32>
      %get3A_959 = arith.index_cast %add3A_678 : i32 to index
      %get3A_960 = arith.constant 34 : index
      %get3A_961 = tpu.vector_load %arg6[%get3A_959, %get3A_960] {strides = array<i32>} : memref<64x51xf32, #tpu.memory_space<vmem>>, vector<1x16xf32>,
      %get3A_962 = vector.shape_cast %get3A_961 : vector<1x16xf32> to vector<16xf32>
      %reshape3A_963 = vector.shape_cast %min3A_71 : vector<16xi32> to vector<16x1xi32>
      %gather3A_964 = vector.shape_cast %reshape3A_963 : vector<16x1xi32> to vector<16xi32>
      %gather3A_965 = tpu.dynamic_gather %get3A_958[%gather3A_964] in [0] : vector<16xf32>, vector<16xi32> -> vector<16xf32>
      %mul3A_966 = arith.mulf %get3A_22, %get3A_958 : vector<16xf32>
      %mul3A_967 = arith.mulf %get3A_42, %gather3A_965 : vector<16xf32>
      %add3A_968 = arith.addf %mul3A_966, %mul3A_967 : vector<16xf32>
      %mul3A_969 = arith.mulf %get3A_62, %get3A_962 : vector<16xf32>
      %add3A_970 = arith.addf %add3A_968, %mul3A_969 : vector<16xf32>
      %mul3A_971 = arith.mulf %mul3A_954, %add3A_970 : vector<16xf32>
      %add3A_972 = arith.addf %add3A_899, %mul3A_971 : vector<16xf32>
      %add3A_973 = arith.constant 3 : i32
      %add3A_974 = arith.addi %mul3A_91, %add3A_973 : i32
      %get3A_975 = arith.index_cast %add3A_974 : i32 to index
      %get3A_976 = arith.constant 0 : index
      %get3A_977 = tpu.vector_load %arg7[%get3A_975, %get3A_976] {strides = array<i32>} : memref<64x51xf32, #tpu.memory_space<vmem>>, vector<1x16xf32>,
      %get3A_978 = vector.shape_cast %get3A_977 : vector<1x16xf32> to vector<16xf32>
      %add3A_979 = arith.constant 1.000000e-16 : f32
      %add3A_980 = vector.broadcast %add3A_979 : f32 to vector<16xf32>
      %add3A_981 = arith.addf %get3A_978, %add3A_980 : vector<16xf32>
      %bitcast_convert_type3A_982 = tpu.bitcast %add3A_981 : vector<16xf32> -> vector<16xi32>
      %shift_right_arithmetic3A_983 = arith.constant 23 : i32
      %shift_right_arithmetic3A_984 = vector.broadcast %shift_right_arithmetic3A_983 : i32 to vector<16xi32>
      %shift_right_arithmetic3A_985 = arith.shrsi %bitcast_convert_type3A_982, %shift_right_arithmetic3A_984 : vector<16xi32>
      %and3A_986 = arith.constant 255 : i32
      %and3A_987 = vector.broadcast %and3A_986 : i32 to vector<16xi32>
      %and3A_988 = arith.andi %shift_right_arithmetic3A_985, %and3A_987 : vector<16xi32>
      %sub3A_989 = arith.constant 127 : i32
      %sub3A_990 = vector.broadcast %sub3A_989 : i32 to vector<16xi32>
      %sub3A_991 = arith.subi %and3A_988, %sub3A_990 : vector<16xi32>
      %and3A_992 = arith.constant 8388607 : i32
      %and3A_993 = vector.broadcast %and3A_992 : i32 to vector<16xi32>
      %and3A_994 = arith.andi %bitcast_convert_type3A_982, %and3A_993 : vector<16xi32>
      %or3A_995 = arith.constant 1065353216 : i32
      %or3A_996 = vector.broadcast %or3A_995 : i32 to vector<16xi32>
      %or3A_997 = arith.ori %and3A_994, %or3A_996 : vector<16xi32>
      %bitcast_convert_type3A_998 = tpu.bitcast %or3A_997 : vector<16xi32> -> vector<16xf32>
      %broadcast_in_dim3A_999 = arith.constant -0.0245685391 : f32
      %broadcast_in_dim3A_1000 = vector.broadcast %broadcast_in_dim3A_999 : f32 to vector<16xf32>
      %mul3A_1001 = arith.mulf %broadcast_in_dim3A_1000, %bitcast_convert_type3A_998 : vector<16xf32>
      %add3A_1002 = arith.constant 0.265024304 : f32
      %add3A_1003 = vector.broadcast %add3A_1002 : f32 to vector<16xf32>
      %add3A_1004 = arith.addf %mul3A_1001, %add3A_1003 : vector<16xf32>
      %mul3A_1005 = arith.mulf %add3A_1004, %bitcast_convert_type3A_998 : vector<16xf32>
      %add3A_1006 = arith.constant -1.22929096 : f32
      %add3A_1007 = vector.broadcast %add3A_1006 : f32 to vector<16xf32>
      %add3A_1008 = arith.addf %mul3A_1005, %add3A_1007 : vector<16xf32>
      %mul3A_1009 = arith.mulf %add3A_1008, %bitcast_convert_type3A_998 : vector<16xf32>
      %add3A_1010 = arith.constant 3.21280026 : f32
      %add3A_1011 = vector.broadcast %add3A_1010 : f32 to vector<16xf32>
      %add3A_1012 = arith.addf %mul3A_1009, %add3A_1011 : vector<16xf32>
      %mul3A_1013 = arith.mulf %add3A_1012, %bitcast_convert_type3A_998 : vector<16xf32>
      %add3A_1014 = arith.constant -5.26168251 : f32
      %add3A_1015 = vector.broadcast %add3A_1014 : f32 to vector<16xf32>
      %add3A_1016 = arith.addf %mul3A_1013, %add3A_1015 : vector<16xf32>
      %mul3A_1017 = arith.mulf %add3A_1016, %bitcast_convert_type3A_998 : vector<16xf32>
      %add3A_1018 = arith.constant 6.06687164 : f32
      %add3A_1019 = vector.broadcast %add3A_1018 : f32 to vector<16xf32>
      %add3A_1020 = arith.addf %mul3A_1017, %add3A_1019 : vector<16xf32>
      %mul3A_1021 = arith.mulf %add3A_1020, %bitcast_convert_type3A_998 : vector<16xf32>
      %add3A_1022 = arith.constant -3.02915144 : f32
      %add3A_1023 = vector.broadcast %add3A_1022 : f32 to vector<16xf32>
      %add3A_1024 = arith.addf %mul3A_1021, %add3A_1023 : vector<16xf32>
      %convert_element_type3A_1025 = arith.sitofp %sub3A_991 : vector<16xi32> to vector<16xf32>
      %add3A_1026 = arith.addf %convert_element_type3A_1025, %add3A_1024 : vector<16xf32>
      %mul3A_1027 = arith.constant 0.693147182 : f32
      %mul3A_1028 = vector.broadcast %mul3A_1027 : f32 to vector<16xf32>
      %mul3A_1029 = arith.mulf %add3A_1026, %mul3A_1028 : vector<16xf32>
      %get3A_1030 = arith.index_cast %add3A_974 : i32 to index
      %get3A_1031 = arith.constant 0 : index
      %get3A_1032 = tpu.vector_load %arg6[%get3A_1030, %get3A_1031] {strides = array<i32>} : memref<64x51xf32, #tpu.memory_space<vmem>>, vector<1x16xf32>,
      %get3A_1033 = vector.shape_cast %get3A_1032 : vector<1x16xf32> to vector<16xf32>
      %reshape3A_1034 = vector.shape_cast %max3A_66 : vector<16xi32> to vector<16x1xi32>
      %gather3A_1035 = vector.shape_cast %reshape3A_1034 : vector<16x1xi32> to vector<16xi32>
      %gather3A_1036 = tpu.dynamic_gather %get3A_1033[%gather3A_1035] in [0] : vector<16xf32>, vector<16xi32> -> vector<16xf32>
      %get3A_1037 = arith.index_cast %add3A_974 : i32 to index
      %get3A_1038 = arith.constant 1 : index
      %get3A_1039 = tpu.vector_load %arg6[%get3A_1037, %get3A_1038] {strides = array<i32>} : memref<64x51xf32, #tpu.memory_space<vmem>>, vector<1x16xf32>,
      %get3A_1040 = vector.shape_cast %get3A_1039 : vector<1x16xf32> to vector<16xf32>
      %mul3A_1041 = arith.mulf %get3A_7, %get3A_1033 : vector<16xf32>
      %mul3A_1042 = arith.mulf %get3A_27, %get3A_1040 : vector<16xf32>
      %add3A_1043 = arith.addf %mul3A_1041, %mul3A_1042 : vector<16xf32>
      %mul3A_1044 = arith.mulf %get3A_47, %gather3A_1036 : vector<16xf32>
      %add3A_1045 = arith.addf %add3A_1043, %mul3A_1044 : vector<16xf32>
      %mul3A_1046 = arith.mulf %mul3A_1029, %add3A_1045 : vector<16xf32>
      %add3A_1047 = arith.addf %scan3A_89, %mul3A_1046 : vector<16xf32>
      %get3A_1048 = arith.index_cast %add3A_974 : i32 to index
      %get3A_1049 = arith.constant 16 : index
      %get3A_1050 = tpu.vector_load %arg7[%get3A_1048, %get3A_1049] {strides = array<i32>} : memref<64x51xf32, #tpu.memory_space<vmem>>, vector<1x16xf32>,
      %get3A_1051 = vector.shape_cast %get3A_1050 : vector<1x16xf32> to vector<16xf32>
      %add3A_1052 = arith.constant 1.000000e-16 : f32
      %add3A_1053 = vector.broadcast %add3A_1052 : f32 to vector<16xf32>
      %add3A_1054 = arith.addf %get3A_1051, %add3A_1053 : vector<16xf32>
      %bitcast_convert_type3A_1055 = tpu.bitcast %add3A_1054 : vector<16xf32> -> vector<16xi32>
      %shift_right_arithmetic3A_1056 = arith.constant 23 : i32
      %shift_right_arithmetic3A_1057 = vector.broadcast %shift_right_arithmetic3A_1056 : i32 to vector<16xi32>
      %shift_right_arithmetic3A_1058 = arith.shrsi %bitcast_convert_type3A_1055, %shift_right_arithmetic3A_1057 : vector<16xi32>
      %and3A_1059 = arith.constant 255 : i32
      %and3A_1060 = vector.broadcast %and3A_1059 : i32 to vector<16xi32>
      %and3A_1061 = arith.andi %shift_right_arithmetic3A_1058, %and3A_1060 : vector<16xi32>
      %sub3A_1062 = arith.constant 127 : i32
      %sub3A_1063 = vector.broadcast %sub3A_1062 : i32 to vector<16xi32>
      %sub3A_1064 = arith.subi %and3A_1061, %sub3A_1063 : vector<16xi32>
      %and3A_1065 = arith.constant 8388607 : i32
      %and3A_1066 = vector.broadcast %and3A_1065 : i32 to vector<16xi32>
      %and3A_1067 = arith.andi %bitcast_convert_type3A_1055, %and3A_1066 : vector<16xi32>
      %or3A_1068 = arith.constant 1065353216 : i32
      %or3A_1069 = vector.broadcast %or3A_1068 : i32 to vector<16xi32>
      %or3A_1070 = arith.ori %and3A_1067, %or3A_1069 : vector<16xi32>
      %bitcast_convert_type3A_1071 = tpu.bitcast %or3A_1070 : vector<16xi32> -> vector<16xf32>
      %broadcast_in_dim3A_1072 = arith.constant -0.0245685391 : f32
      %broadcast_in_dim3A_1073 = vector.broadcast %broadcast_in_dim3A_1072 : f32 to vector<16xf32>
      %mul3A_1074 = arith.mulf %broadcast_in_dim3A_1073, %bitcast_convert_type3A_1071 : vector<16xf32>
      %add3A_1075 = arith.constant 0.265024304 : f32
      %add3A_1076 = vector.broadcast %add3A_1075 : f32 to vector<16xf32>
      %add3A_1077 = arith.addf %mul3A_1074, %add3A_1076 : vector<16xf32>
      %mul3A_1078 = arith.mulf %add3A_1077, %bitcast_convert_type3A_1071 : vector<16xf32>
      %add3A_1079 = arith.constant -1.22929096 : f32
      %add3A_1080 = vector.broadcast %add3A_1079 : f32 to vector<16xf32>
      %add3A_1081 = arith.addf %mul3A_1078, %add3A_1080 : vector<16xf32>
      %mul3A_1082 = arith.mulf %add3A_1081, %bitcast_convert_type3A_1071 : vector<16xf32>
      %add3A_1083 = arith.constant 3.21280026 : f32
      %add3A_1084 = vector.broadcast %add3A_1083 : f32 to vector<16xf32>
      %add3A_1085 = arith.addf %mul3A_1082, %add3A_1084 : vector<16xf32>
      %mul3A_1086 = arith.mulf %add3A_1085, %bitcast_convert_type3A_1071 : vector<16xf32>
      %add3A_1087 = arith.constant -5.26168251 : f32
      %add3A_1088 = vector.broadcast %add3A_1087 : f32 to vector<16xf32>
      %add3A_1089 = arith.addf %mul3A_1086, %add3A_1088 : vector<16xf32>
      %mul3A_1090 = arith.mulf %add3A_1089, %bitcast_convert_type3A_1071 : vector<16xf32>
      %add3A_1091 = arith.constant 6.06687164 : f32
      %add3A_1092 = vector.broadcast %add3A_1091 : f32 to vector<16xf32>
      %add3A_1093 = arith.addf %mul3A_1090, %add3A_1092 : vector<16xf32>
      %mul3A_1094 = arith.mulf %add3A_1093, %bitcast_convert_type3A_1071 : vector<16xf32>
      %add3A_1095 = arith.constant -3.02915144 : f32
      %add3A_1096 = vector.broadcast %add3A_1095 : f32 to vector<16xf32>
      %add3A_1097 = arith.addf %mul3A_1094, %add3A_1096 : vector<16xf32>
      %convert_element_type3A_1098 = arith.sitofp %sub3A_1064 : vector<16xi32> to vector<16xf32>
      %add3A_1099 = arith.addf %convert_element_type3A_1098, %add3A_1097 : vector<16xf32>
      %mul3A_1100 = arith.constant 0.693147182 : f32
      %mul3A_1101 = vector.broadcast %mul3A_1100 : f32 to vector<16xf32>
      %mul3A_1102 = arith.mulf %add3A_1099, %mul3A_1101 : vector<16xf32>
      %get3A_1103 = arith.index_cast %add3A_974 : i32 to index
      %get3A_1104 = arith.constant 16 : index
      %get3A_1105 = tpu.vector_load %arg6[%get3A_1103, %get3A_1104] {strides = array<i32>} : memref<64x51xf32, #tpu.memory_space<vmem>>, vector<1x16xf32>,
      %get3A_1106 = vector.shape_cast %get3A_1105 : vector<1x16xf32> to vector<16xf32>
      %get3A_1107 = arith.index_cast %add3A_974 : i32 to index
      %get3A_1108 = arith.constant 15 : index
      %get3A_1109 = tpu.vector_load %arg6[%get3A_1107, %get3A_1108] {strides = array<i32>} : memref<64x51xf32, #tpu.memory_space<vmem>>, vector<1x16xf32>,
      %get3A_1110 = vector.shape_cast %get3A_1109 : vector<1x16xf32> to vector<16xf32>
      %get3A_1111 = arith.index_cast %add3A_974 : i32 to index
      %get3A_1112 = arith.constant 17 : index
      %get3A_1113 = tpu.vector_load %arg6[%get3A_1111, %get3A_1112] {strides = array<i32>} : memref<64x51xf32, #tpu.memory_space<vmem>>, vector<1x16xf32>,
      %get3A_1114 = vector.shape_cast %get3A_1113 : vector<1x16xf32> to vector<16xf32>
      %mul3A_1115 = arith.mulf %get3A_12, %get3A_1106 : vector<16xf32>
      %mul3A_1116 = arith.mulf %get3A_32, %get3A_1114 : vector<16xf32>
      %add3A_1117 = arith.addf %mul3A_1115, %mul3A_1116 : vector<16xf32>
      %mul3A_1118 = arith.mulf %get3A_52, %get3A_1110 : vector<16xf32>
      %add3A_1119 = arith.addf %add3A_1117, %mul3A_1118 : vector<16xf32>
      %mul3A_1120 = arith.mulf %mul3A_1102, %add3A_1119 : vector<16xf32>
      %add3A_1121 = arith.addf %add3A_1047, %mul3A_1120 : vector<16xf32>
      %get3A_1122 = arith.index_cast %add3A_974 : i32 to index
      %get3A_1123 = arith.constant 32 : index
      %get3A_1124 = tpu.vector_load %arg7[%get3A_1122, %get3A_1123] {strides = array<i32>} : memref<64x51xf32, #tpu.memory_space<vmem>>, vector<1x16xf32>,
      %get3A_1125 = vector.shape_cast %get3A_1124 : vector<1x16xf32> to vector<16xf32>
      %add3A_1126 = arith.constant 1.000000e-16 : f32
      %add3A_1127 = vector.broadcast %add3A_1126 : f32 to vector<16xf32>
      %add3A_1128 = arith.addf %get3A_1125, %add3A_1127 : vector<16xf32>
      %bitcast_convert_type3A_1129 = tpu.bitcast %add3A_1128 : vector<16xf32> -> vector<16xi32>
      %shift_right_arithmetic3A_1130 = arith.constant 23 : i32
      %shift_right_arithmetic3A_1131 = vector.broadcast %shift_right_arithmetic3A_1130 : i32 to vector<16xi32>
      %shift_right_arithmetic3A_1132 = arith.shrsi %bitcast_convert_type3A_1129, %shift_right_arithmetic3A_1131 : vector<16xi32>
      %and3A_1133 = arith.constant 255 : i32
      %and3A_1134 = vector.broadcast %and3A_1133 : i32 to vector<16xi32>
      %and3A_1135 = arith.andi %shift_right_arithmetic3A_1132, %and3A_1134 : vector<16xi32>
      %sub3A_1136 = arith.constant 127 : i32
      %sub3A_1137 = vector.broadcast %sub3A_1136 : i32 to vector<16xi32>
      %sub3A_1138 = arith.subi %and3A_1135, %sub3A_1137 : vector<16xi32>
      %and3A_1139 = arith.constant 8388607 : i32
      %and3A_1140 = vector.broadcast %and3A_1139 : i32 to vector<16xi32>
      %and3A_1141 = arith.andi %bitcast_convert_type3A_1129, %and3A_1140 : vector<16xi32>
      %or3A_1142 = arith.constant 1065353216 : i32
      %or3A_1143 = vector.broadcast %or3A_1142 : i32 to vector<16xi32>
      %or3A_1144 = arith.ori %and3A_1141, %or3A_1143 : vector<16xi32>
      %bitcast_convert_type3A_1145 = tpu.bitcast %or3A_1144 : vector<16xi32> -> vector<16xf32>
      %broadcast_in_dim3A_1146 = arith.constant -0.0245685391 : f32
      %broadcast_in_dim3A_1147 = vector.broadcast %broadcast_in_dim3A_1146 : f32 to vector<16xf32>
      %mul3A_1148 = arith.mulf %broadcast_in_dim3A_1147, %bitcast_convert_type3A_1145 : vector<16xf32>
      %add3A_1149 = arith.constant 0.265024304 : f32
      %add3A_1150 = vector.broadcast %add3A_1149 : f32 to vector<16xf32>
      %add3A_1151 = arith.addf %mul3A_1148, %add3A_1150 : vector<16xf32>
      %mul3A_1152 = arith.mulf %add3A_1151, %bitcast_convert_type3A_1145 : vector<16xf32>
      %add3A_1153 = arith.constant -1.22929096 : f32
      %add3A_1154 = vector.broadcast %add3A_1153 : f32 to vector<16xf32>
      %add3A_1155 = arith.addf %mul3A_1152, %add3A_1154 : vector<16xf32>
      %mul3A_1156 = arith.mulf %add3A_1155, %bitcast_convert_type3A_1145 : vector<16xf32>
      %add3A_1157 = arith.constant 3.21280026 : f32
      %add3A_1158 = vector.broadcast %add3A_1157 : f32 to vector<16xf32>
      %add3A_1159 = arith.addf %mul3A_1156, %add3A_1158 : vector<16xf32>
      %mul3A_1160 = arith.mulf %add3A_1159, %bitcast_convert_type3A_1145 : vector<16xf32>
      %add3A_1161 = arith.constant -5.26168251 : f32
      %add3A_1162 = vector.broadcast %add3A_1161 : f32 to vector<16xf32>
      %add3A_1163 = arith.addf %mul3A_1160, %add3A_1162 : vector<16xf32>
      %mul3A_1164 = arith.mulf %add3A_1163, %bitcast_convert_type3A_1145 : vector<16xf32>
      %add3A_1165 = arith.constant 6.06687164 : f32
      %add3A_1166 = vector.broadcast %add3A_1165 : f32 to vector<16xf32>
      %add3A_1167 = arith.addf %mul3A_1164, %add3A_1166 : vector<16xf32>
      %mul3A_1168 = arith.mulf %add3A_1167, %bitcast_convert_type3A_1145 : vector<16xf32>
      %add3A_1169 = arith.constant -3.02915144 : f32
      %add3A_1170 = vector.broadcast %add3A_1169 : f32 to vector<16xf32>
      %add3A_1171 = arith.addf %mul3A_1168, %add3A_1170 : vector<16xf32>
      %convert_element_type3A_1172 = arith.sitofp %sub3A_1138 : vector<16xi32> to vector<16xf32>
      %add3A_1173 = arith.addf %convert_element_type3A_1172, %add3A_1171 : vector<16xf32>
      %mul3A_1174 = arith.constant 0.693147182 : f32
      %mul3A_1175 = vector.broadcast %mul3A_1174 : f32 to vector<16xf32>
      %mul3A_1176 = arith.mulf %add3A_1173, %mul3A_1175 : vector<16xf32>
      %get3A_1177 = arith.index_cast %add3A_974 : i32 to index
      %get3A_1178 = arith.constant 32 : index
      %get3A_1179 = tpu.vector_load %arg6[%get3A_1177, %get3A_1178] {strides = array<i32>} : memref<64x51xf32, #tpu.memory_space<vmem>>, vector<1x16xf32>,
      %get3A_1180 = vector.shape_cast %get3A_1179 : vector<1x16xf32> to vector<16xf32>
      %get3A_1181 = arith.index_cast %add3A_974 : i32 to index
      %get3A_1182 = arith.constant 31 : index
      %get3A_1183 = tpu.vector_load %arg6[%get3A_1181, %get3A_1182] {strides = array<i32>} : memref<64x51xf32, #tpu.memory_space<vmem>>, vector<1x16xf32>,
      %get3A_1184 = vector.shape_cast %get3A_1183 : vector<1x16xf32> to vector<16xf32>
      %get3A_1185 = arith.index_cast %add3A_974 : i32 to index
      %get3A_1186 = arith.constant 33 : index
      %get3A_1187 = tpu.vector_load %arg6[%get3A_1185, %get3A_1186] {strides = array<i32>} : memref<64x51xf32, #tpu.memory_space<vmem>>, vector<1x16xf32>,
      %get3A_1188 = vector.shape_cast %get3A_1187 : vector<1x16xf32> to vector<16xf32>
      %mul3A_1189 = arith.mulf %get3A_17, %get3A_1180 : vector<16xf32>
      %mul3A_1190 = arith.mulf %get3A_37, %get3A_1188 : vector<16xf32>
      %add3A_1191 = arith.addf %mul3A_1189, %mul3A_1190 : vector<16xf32>
      %mul3A_1192 = arith.mulf %get3A_57, %get3A_1184 : vector<16xf32>
      %add3A_1193 = arith.addf %add3A_1191, %mul3A_1192 : vector<16xf32>
      %mul3A_1194 = arith.mulf %mul3A_1176, %add3A_1193 : vector<16xf32>
      %add3A_1195 = arith.addf %add3A_1121, %mul3A_1194 : vector<16xf32>
      %get3A_1196 = arith.index_cast %add3A_974 : i32 to index
      %get3A_1197 = arith.constant 35 : index
      %get3A_1198 = tpu.vector_load %arg7[%get3A_1196, %get3A_1197] {strides = array<i32>} : memref<64x51xf32, #tpu.memory_space<vmem>>, vector<1x16xf32>,
      %get3A_1199 = vector.shape_cast %get3A_1198 : vector<1x16xf32> to vector<16xf32>
      %add3A_1200 = arith.constant 1.000000e-16 : f32
      %add3A_1201 = vector.broadcast %add3A_1200 : f32 to vector<16xf32>
      %add3A_1202 = arith.addf %get3A_1199, %add3A_1201 : vector<16xf32>
      %bitcast_convert_type3A_1203 = tpu.bitcast %add3A_1202 : vector<16xf32> -> vector<16xi32>
      %shift_right_arithmetic3A_1204 = arith.constant 23 : i32
      %shift_right_arithmetic3A_1205 = vector.broadcast %shift_right_arithmetic3A_1204 : i32 to vector<16xi32>
      %shift_right_arithmetic3A_1206 = arith.shrsi %bitcast_convert_type3A_1203, %shift_right_arithmetic3A_1205 : vector<16xi32>
      %and3A_1207 = arith.constant 255 : i32
      %and3A_1208 = vector.broadcast %and3A_1207 : i32 to vector<16xi32>
      %and3A_1209 = arith.andi %shift_right_arithmetic3A_1206, %and3A_1208 : vector<16xi32>
      %sub3A_1210 = arith.constant 127 : i32
      %sub3A_1211 = vector.broadcast %sub3A_1210 : i32 to vector<16xi32>
      %sub3A_1212 = arith.subi %and3A_1209, %sub3A_1211 : vector<16xi32>
      %and3A_1213 = arith.constant 8388607 : i32
      %and3A_1214 = vector.broadcast %and3A_1213 : i32 to vector<16xi32>
      %and3A_1215 = arith.andi %bitcast_convert_type3A_1203, %and3A_1214 : vector<16xi32>
      %or3A_1216 = arith.constant 1065353216 : i32
      %or3A_1217 = vector.broadcast %or3A_1216 : i32 to vector<16xi32>
      %or3A_1218 = arith.ori %and3A_1215, %or3A_1217 : vector<16xi32>
      %bitcast_convert_type3A_1219 = tpu.bitcast %or3A_1218 : vector<16xi32> -> vector<16xf32>
      %broadcast_in_dim3A_1220 = arith.constant -0.0245685391 : f32
      %broadcast_in_dim3A_1221 = vector.broadcast %broadcast_in_dim3A_1220 : f32 to vector<16xf32>
      %mul3A_1222 = arith.mulf %broadcast_in_dim3A_1221, %bitcast_convert_type3A_1219 : vector<16xf32>
      %add3A_1223 = arith.constant 0.265024304 : f32
      %add3A_1224 = vector.broadcast %add3A_1223 : f32 to vector<16xf32>
      %add3A_1225 = arith.addf %mul3A_1222, %add3A_1224 : vector<16xf32>
      %mul3A_1226 = arith.mulf %add3A_1225, %bitcast_convert_type3A_1219 : vector<16xf32>
      %add3A_1227 = arith.constant -1.22929096 : f32
      %add3A_1228 = vector.broadcast %add3A_1227 : f32 to vector<16xf32>
      %add3A_1229 = arith.addf %mul3A_1226, %add3A_1228 : vector<16xf32>
      %mul3A_1230 = arith.mulf %add3A_1229, %bitcast_convert_type3A_1219 : vector<16xf32>
      %add3A_1231 = arith.constant 3.21280026 : f32
      %add3A_1232 = vector.broadcast %add3A_1231 : f32 to vector<16xf32>
      %add3A_1233 = arith.addf %mul3A_1230, %add3A_1232 : vector<16xf32>
      %mul3A_1234 = arith.mulf %add3A_1233, %bitcast_convert_type3A_1219 : vector<16xf32>
      %add3A_1235 = arith.constant -5.26168251 : f32
      %add3A_1236 = vector.broadcast %add3A_1235 : f32 to vector<16xf32>
      %add3A_1237 = arith.addf %mul3A_1234, %add3A_1236 : vector<16xf32>
      %mul3A_1238 = arith.mulf %add3A_1237, %bitcast_convert_type3A_1219 : vector<16xf32>
      %add3A_1239 = arith.constant 6.06687164 : f32
      %add3A_1240 = vector.broadcast %add3A_1239 : f32 to vector<16xf32>
      %add3A_1241 = arith.addf %mul3A_1238, %add3A_1240 : vector<16xf32>
      %mul3A_1242 = arith.mulf %add3A_1241, %bitcast_convert_type3A_1219 : vector<16xf32>
      %add3A_1243 = arith.constant -3.02915144 : f32
      %add3A_1244 = vector.broadcast %add3A_1243 : f32 to vector<16xf32>
      %add3A_1245 = arith.addf %mul3A_1242, %add3A_1244 : vector<16xf32>
      %convert_element_type3A_1246 = arith.sitofp %sub3A_1212 : vector<16xi32> to vector<16xf32>
      %add3A_1247 = arith.addf %convert_element_type3A_1246, %add3A_1245 : vector<16xf32>
      %mul3A_1248 = arith.constant 0.693147182 : f32
      %mul3A_1249 = vector.broadcast %mul3A_1248 : f32 to vector<16xf32>
      %mul3A_1250 = arith.mulf %add3A_1247, %mul3A_1249 : vector<16xf32>
      %get3A_1251 = arith.index_cast %add3A_974 : i32 to index
      %get3A_1252 = arith.constant 35 : index
      %get3A_1253 = tpu.vector_load %arg6[%get3A_1251, %get3A_1252] {strides = array<i32>} : memref<64x51xf32, #tpu.memory_space<vmem>>, vector<1x16xf32>,
      %get3A_1254 = vector.shape_cast %get3A_1253 : vector<1x16xf32> to vector<16xf32>
      %get3A_1255 = arith.index_cast %add3A_974 : i32 to index
      %get3A_1256 = arith.constant 34 : index
      %get3A_1257 = tpu.vector_load %arg6[%get3A_1255, %get3A_1256] {strides = array<i32>} : memref<64x51xf32, #tpu.memory_space<vmem>>, vector<1x16xf32>,
      %get3A_1258 = vector.shape_cast %get3A_1257 : vector<1x16xf32> to vector<16xf32>
      %reshape3A_1259 = vector.shape_cast %min3A_71 : vector<16xi32> to vector<16x1xi32>
      %gather3A_1260 = vector.shape_cast %reshape3A_1259 : vector<16x1xi32> to vector<16xi32>
      %gather3A_1261 = tpu.dynamic_gather %get3A_1254[%gather3A_1260] in [0] : vector<16xf32>, vector<16xi32> -> vector<16xf32>
      %mul3A_1262 = arith.mulf %get3A_22, %get3A_1254 : vector<16xf32>
      %mul3A_1263 = arith.mulf %get3A_42, %gather3A_1261 : vector<16xf32>
      %add3A_1264 = arith.addf %mul3A_1262, %mul3A_1263 : vector<16xf32>
      %mul3A_1265 = arith.mulf %get3A_62, %get3A_1258 : vector<16xf32>
      %add3A_1266 = arith.addf %add3A_1264, %mul3A_1265 : vector<16xf32>
      %mul3A_1267 = arith.mulf %mul3A_1250, %add3A_1266 : vector<16xf32>
      %add3A_1268 = arith.addf %add3A_1195, %mul3A_1267 : vector<16xf32>
      scf.yield %add3A_380, %add3A_676, %add3A_972, %add3A_1268 : vector<16xf32>, vector<16xf32>, vector<16xf32>, vector<16xf32>
    }
    %scan3A_78 = arith.constant 16 : i32
    %add3A_79 = arith.addf %scan3A_77#0, %scan3A_77#1 : vector<16xf32>
    %add3A_80 = arith.addf %scan3A_77#2, %scan3A_77#3 : vector<16xf32>
    %add3A_81 = arith.addf %add3A_79, %add3A_80 : vector<16xf32>
    %swap3A = arith.constant 0 : index
    %swap3A_82 = tpu.vector_load %arg9[%swap3A] {strides = array<i32>} : memref<16xf32, #tpu.memory_space<vmem>>, vector<16xf32>,
    %swap3A_83 = vector.shape_cast %swap3A_82 : vector<16xf32> to vector<16xf32>
    %swap3A_84 = vector.shape_cast %add3A_81 : vector<16xf32> to vector<16xf32>
    tpu.vector_store %arg9[%swap3A], %swap3A_84 {strides = array<i32>} : memref<16xf32, #tpu.memory_space<vmem>>, vector<16xf32>,
    "tpu.region"() ({
      %run_scoped3A = tpu.sem_alloc : memref<!tpu.dma_semaphore, #tpu.memory_space<semaphore_mem>>
      %dma_start3A = arith.constant 0 : i32
      %dma_start3A_85 = tpu.memref_slice %arg5[%add3A, %dma_start3A] : memref<32x16xf32, #tpu.memory_space<hbm>> -> memref<1x16xf32, #tpu.memory_space<hbm>>
      %dma_start3A_86 = tpu.memref_squeeze %dma_start3A_85 : memref<1x16xf32, #tpu.memory_space<hbm>> -> memref<16xf32, #tpu.memory_space<hbm>>
      %dma_start3A_87 = arith.constant 0 : i32
      %dma_start3A_88 = tpu.memref_slice %arg5[%add3A, %dma_start3A_87] : memref<32x16xf32, #tpu.memory_space<hbm>> -> memref<1x16xf32, #tpu.memory_space<hbm>>
      %dma_start3A_89 = tpu.memref_squeeze %dma_start3A_88 : memref<1x16xf32, #tpu.memory_space<hbm>> -> memref<16xf32, #tpu.memory_space<hbm>>
      tpu.enqueue_dma source(%arg9 : memref<16xf32, #tpu.memory_space<vmem>>) target(%dma_start3A_89 : memref<16xf32, #tpu.memory_space<hbm>>) target_semaphore(%run_scoped3A : memref<!tpu.dma_semaphore, #tpu.memory_space<semaphore_mem>>)
      %dma_wait3A = arith.constant 0 : i32
      %dma_wait3A_90 = tpu.memref_slice %arg5[%add3A, %dma_wait3A] : memref<32x16xf32, #tpu.memory_space<hbm>> -> memref<1x16xf32, #tpu.memory_space<hbm>>
      %dma_wait3A_91 = tpu.memref_squeeze %dma_wait3A_90 : memref<1x16xf32, #tpu.memory_space<hbm>> -> memref<16xf32, #tpu.memory_space<hbm>>
      %dma_wait3A_92 = arith.constant 0 : i32
      %dma_wait3A_93 = tpu.memref_slice %arg5[%add3A, %dma_wait3A_92] : memref<32x16xf32, #tpu.memory_space<hbm>> -> memref<1x16xf32, #tpu.memory_space<hbm>>
      %dma_wait3A_94 = tpu.memref_squeeze %dma_wait3A_93 : memref<1x16xf32, #tpu.memory_space<hbm>> -> memref<16xf32, #tpu.memory_space<hbm>>
      tpu.wait_dma2 semaphore(%run_scoped3A : memref<!tpu.dma_semaphore, #tpu.memory_space<semaphore_mem>>) src(%arg9 : memref<16xf32, #tpu.memory_space<vmem>>) dst(%dma_wait3A_94 : memref<16xf32, #tpu.memory_space<hbm>>)
      tpu.yield
    }) : () -> ()
    return
  }
}

module attributes {stable_mosaic.version = 14 : i64} {
  func.func @_tc_body(%arg0: i32, %arg1: memref<2048x51xf32, #tpu.memory_space<vmem>>, %arg2: memref<2048x51xf32, #tpu.memory_space<vmem>>, %arg3: memref<51x51xf32, #tpu.memory_space<vmem>>, %arg4: memref<1x1xf32, #tpu.memory_space<vmem>>) attributes {dimension_semantics = [#tpu.dimension_semantics<arbitrary>], iteration_bounds = array<i64: 7>, scalar_prefetch = 0 : i64, scratch_operands = 0 : i64, tpu.core_type = #tpu.core_type<tc>, window_params = [{transform_indices = @transform_0, window_bounds = array<i64: 2048, 51>}, {transform_indices = @transform_1, window_bounds = array<i64: 2048, 51>}, {pipeline_mode = #tpu.pipeline_mode<synchronous>, transform_indices = @transform_2, window_bounds = array<i64: 51, 51>}, {pipeline_mode = #tpu.pipeline_mode<synchronous>, transform_indices = @transform_3, window_bounds = array<i64: 1, 1>}]} {
    %get3A = arith.constant 0 : index
    %get3A_0 = arith.constant 0 : index
    %get3A_1 = vector.load %arg2[%get3A, %get3A_0] : memref<2048x51xf32, #tpu.memory_space<vmem>>, vector<2048x51xf32>
    %add3A = arith.constant 1.000000e-16 : f32
    %add3A_2 = vector.broadcast %add3A : f32 to vector<2048x51xf32>
    %add3A_3 = arith.addf %get3A_1, %add3A_2 : vector<2048x51xf32>
    %log3A = math.log %add3A_3 : vector<2048x51xf32>
    %get3A_4 = arith.constant 0 : index
    %get3A_5 = arith.constant 0 : index
    %get3A_6 = vector.load %arg1[%get3A_4, %get3A_5] : memref<2048x51xf32, #tpu.memory_space<vmem>>, vector<2048x51xf32>
    %get3A_7 = arith.constant 0 : index
    %get3A_8 = arith.constant 0 : index
    %get3A_9 = vector.load %arg3[%get3A_7, %get3A_8] : memref<51x51xf32, #tpu.memory_space<vmem>>, vector<51x51xf32>
    %dot_general3A = arith.constant dense<0.000000e+00> : vector<2048x51xf32>
    %dot_general3A_10 = tpu.matmul %get3A_6, %get3A_9, %dot_general3A {dimension_numbers = #tpu.dot_dimension_numbers<[1], [0], [0], [1], [0, 0, 1, 1], [], []>, transpose_lhs_hint = false} : vector<2048x51xf32>, vector<51x51xf32>, vector<2048x51xf32> -> vector<2048x51xf32>
    %mul3A = arith.mulf %dot_general3A_10, %log3A : vector<2048x51xf32>
    %reduce_sum3A = vector.shape_cast %mul3A : vector<2048x51xf32> to vector<1x2048x51xf32>
    %reduce_sum3A_11 = arith.constant dense<0.000000e+00> : vector<1xf32>
    %reduce_sum3A_12 = vector.multi_reduction <add>, %reduce_sum3A, %reduce_sum3A_11 [1, 2] : vector<1x2048x51xf32> to vector<1xf32>
    %reduce_sum3A_13 = vector.shape_cast %reduce_sum3A_12 : vector<1xf32> to vector<1x1x1xf32>
    %reduce_sum3A_14 = vector.extract %reduce_sum3A_13[0, 0, 0] : f32 from vector<1x1x1xf32>
    %broadcast_in_dim3A = vector.broadcast %reduce_sum3A_14 : f32 to vector<1x1xf32>
    %eq3A = arith.constant 0 : i32
    %eq3A_15 = arith.cmpi eq, %arg0, %eq3A : i32
    %convert_element_type3A = arith.extui %eq3A_15 : i1 to i32
    %cond3A = arith.constant 0 : i32
    %cond3A_16 = arith.cmpi ne, %convert_element_type3A, %cond3A : i32
    scf.if %cond3A_16 {
      %broadcast_in_dim3A_23 = arith.constant 0.000000e+00 : f32
      %broadcast_in_dim3A_24 = vector.broadcast %broadcast_in_dim3A_23 : f32 to vector<1x1xf32>
      %swap3A_25 = arith.constant 0 : index
      %swap3A_26 = arith.constant 0 : index
      %swap3A_27 = vector.load %arg4[%swap3A_25, %swap3A_26] : memref<1x1xf32, #tpu.memory_space<vmem>>, vector<1x1xf32>
      tpu.vector_store %arg4[%swap3A_25, %swap3A_26], %broadcast_in_dim3A_24 {strides = array<i32>} : memref<1x1xf32, #tpu.memory_space<vmem>>, vector<1x1xf32>,
    } else {
    }
    %get3A_17 = arith.constant 0 : index
    %get3A_18 = arith.constant 0 : index
    %get3A_19 = vector.load %arg4[%get3A_17, %get3A_18] : memref<1x1xf32, #tpu.memory_space<vmem>>, vector<1x1xf32>
    %add3A_20 = arith.addf %get3A_19, %broadcast_in_dim3A : vector<1x1xf32>
    %swap3A = arith.constant 0 : index
    %swap3A_21 = arith.constant 0 : index
    %swap3A_22 = vector.load %arg4[%swap3A, %swap3A_21] : memref<1x1xf32, #tpu.memory_space<vmem>>, vector<1x1xf32>
    tpu.vector_store %arg4[%swap3A, %swap3A_21], %add3A_20 {strides = array<i32>} : memref<1x1xf32, #tpu.memory_space<vmem>>, vector<1x1xf32>,
    return
  }
  func.func @transform_0(%arg0: i32) -> (i32, i32) {
    %add3A = arith.constant 1 : i32
    %add3A_0 = arith.addi %arg0, %add3A : i32
    %c0_i32 = arith.constant 0 : i32
    %c0_i32_1 = arith.constant 0 : i32
    return %add3A_0, %c0_i32 : i32, i32
  }
  func.func @transform_1(%arg0: i32) -> (i32, i32) {
    %add3A = arith.constant 1 : i32
    %add3A_0 = arith.addi %arg0, %add3A : i32
    %c0_i32 = arith.constant 0 : i32
    %c0_i32_1 = arith.constant 0 : i32
    return %add3A_0, %c0_i32 : i32, i32
  }
  func.func @transform_2(%arg0: i32) -> (i32, i32) {
    %c0_i32 = arith.constant 0 : i32
    %c0_i32_0 = arith.constant 0 : i32
    %c0_i32_1 = arith.constant 0 : i32
    return %c0_i32, %c0_i32_0 : i32, i32
  }
  func.func @transform_3(%arg0: i32) -> (i32, i32) {
    %c0_i32 = arith.constant 0 : i32
    %c0_i32_0 = arith.constant 0 : i32
    %c0_i32_1 = arith.constant 0 : i32
    return %c0_i32, %c0_i32_0 : i32, i32
  }
}

</mosaic_0001>

<sc_bundles>
// kernel: kernel.4.cloned.1.call-start
scs
__scs_entry_jumppad:
0x0: {  	(pc) =	sbr.rel $0x88, $3  }
0x1: {  	(tag) =	ssettag $0x0;
	lr =	simm.s32 $0x1  }
0x2: {  	[smem:$0x3F9F] =	sst lr;
	_ =	strace $0xD0000000  }
0x3: {  	_ = 	snop  }
0x4: {  	_ = 	snop  }
0x5: {  	_ = 	snop  }
0x6: {  	_ = 	snop  }
0x7: {  	_ = 	snop  }
__scs_overlays_trampoline_lowered:
0x8: {  	[smem:$0x3FAE] =	sst s0  }
0x9: {  	[smem:$0x3FAF] =	sst s1  }
0xa: {  	[smem:$0x3FB0] =	sst s2  }
0xb: {  	[smem:$0x3FB1] =	sst s3  }
0xc: {  	[smem:$0x3FB2] =	sst s4  }
0xd: {  	[smem:$0x3FB3] =	sst s5  }
0xe: {  	[smem:$0x3FB4] =	sst s6  }
0xf: {  	[smem:$0x3FB5] =	sst s7  }
0x10: {  	[smem:$0x3FB6] =	sst s8  }
0x11: {  	[smem:$0x3FB7] =	sst s9;
	s0 =	simm.s32 @!p0 $0x0  }
0x12: {  	s1 =	sld [smem:$0x3F9D];
	s0 =	simm.s32 @p0 $0x1  }
0x13: {  	[smem:$0x3FB8] =	sst s0;
	s0 =	simm.s32 @!p1 $0x0  }
0x14: {  	s2 =	sld [smem:$0x3F9C];
	s0 =	simm.s32 @p1 $0x1  }
0x15: {  	[smem:$0x3FB9] =	sst s0;
	s0 =	simm.s32 @!p2 $0x0  }
0x16: {  	s3 =	sld [smem:$0x3FDB];
	s0 =	simm.s32 @p2 $0x1  }
0x17: {  	s4 =	simm.s32 $0x1BF5;
	[smem:$0x3FBB] =	sst s0  }
0x18: {  	s0 =	sld [smem:$0x3F9E];
	_ =	swait.ge [sflag:s4], $0x0  }
0x19: {  	s7 =	sld [smem:$0x3F9F]  }
0x1a: {  	s8 =	sadd.s32 $0xFFFFE003, lr  }
0x1b: {  	s9 =	sadd.s32 $0xFFFFFEF7, lr;
	s5 =	simm.s32 $0xFFFFFFFF;
	p2 =	slt.u32 s8, $0xFFFFF086  }
0x1c: {  	p1 =	slt.u32 s9, $0xF7A;
	s5 =	simm.s32 @!p2 $0x0  }
0x1d: {  	s5 =	simm.s32 @p1 $0x1;
	p0 =	seq.s32 s7, s2  }
0x1e: {  	s7 =	smul.u32 @!p0 $0xF7A, s2;
	p2 =	seq.s32 @!p0 s5, $0x0  }
0x1f: {  	s9 =	smul.u32 $0xF7A, s1;
	s8 =	simm.s32 @!p0 $0x1BF5;
	p2 =	por !p2, p0  }
0x20: {  	[sflag:s8] =	ssyncset.s32 @!p0 $0xFFFFF086;
	s6 =	sadd.s32 @!p0 s3, s7;
	s7 =	simm.s32 @!p0 $0x108  }
0x21: {  	s3 =	sadd.s32 s3, s9;
	s6 =	sadd.s32 @!p0 $0x88, s6;
	s7 =	simm.s32 @p2 $0x1082  }
0x22: {  	[simem:s7], [sflag:s8] =	dma.local @!p0 [hbm:s6], $0xF7A  }
0x23: {  	s9 =	sor.u32 $0xD0000000, s2;
	s6 =	simm.s32 $0x108;
	_ =	swait.ge @!p0 [sflag:s8], $0x0  }
0x24: {  	s3 =	sadd.s32 $0x88, s3;
	s6 =	simm.s32 @!p1 $0x1082;
	[sflag:s4] =	ssyncset.s32 $0xFFFFF086  }
0x25: {  	[simem:s6], [sflag:s4] =	dma.local [hbm:s3], $0xF7A  }
0x26: {  	[smem:$0x3F9F] =	sst s1;
	(tag) =	ssettag s2;
	_ =	strace s9  }
0x27: {  	s1 =	sld [smem:$0x3FAF]  }
0x28: {  	s2 =	sld [smem:$0x3FB0]  }
0x29: {  	s4 =	sld [smem:$0x3FB2]  }
0x2a: {  	p0 =	seq.s32 s5, $0x0;
	s5 =	sld [smem:$0x3FB3]  }
0x2b: {  	s6 =	sld [smem:$0x3FB4]  }
0x2c: {  	s7 =	sld [smem:$0x3FB5]  }
0x2d: {  	s3 =	simm.s32 $0x108;
	s8 =	sld [smem:$0x3FB6]  }
0x2e: {  	s3 =	simm.s32 @!p0 $0x1082;
	s9 =	sld [smem:$0x3FB7]  }
0x2f: {  	lr =	sadd.s32 s0, s3;
	s0 =	sld [smem:$0x3FAE]  }
0x30: {  	s3 =	sld [smem:$0x3FB1]  }
0x31: {  	[smem:$0x3FBA] =	sst s10  }
0x32: {  	s10 =	sld [smem:$0x3FB8];
	_ =	sdelay $0x3  }
0x33: {  	p0 =	seq.s32 s10, $0x1;
	s10 =	sld [smem:$0x3FBA];
	_ =	sdelay $0x3  }
0x34: {  	[smem:$0x3FBA] =	sst s10  }
0x35: {  	s10 =	sld [smem:$0x3FB9];
	_ =	sdelay $0x3  }
0x36: {  	p1 =	seq.s32 s10, $0x1;
	s10 =	sld [smem:$0x3FBA];
	_ =	sdelay $0x3  }
0x37: {  	[smem:$0x3FBA] =	sst s10  }
0x38: {  	s10 =	sld [smem:$0x3FBB]  }
0x39: {  	_ = 	snop;
	(pc) =	sbr.ind lr, $3  }
0x3a: {  	_ = 	snop  }
0x3b: {  	_ = 	snop  }
0x3c: {  	p2 =	seq.s32 s10, $0x1;
	s10 =	sld [smem:$0x3FBA]  }
0x3d: {  	_ =	shalt  }
0x3e: {  	_ =	shalt  }
0x3f: {  	_ =	shalt  }
0x40: {  	_ =	shalt  }
0x41: {  	_ =	shalt  }
0x42: {  	_ =	shalt  }
0x43: {  	_ =	shalt  }
0x44: {  	_ =	shalt  }
0x45: {  	_ =	shalt  }
0x46: {  	_ =	shalt  }
0x47: {  	_ =	shalt  }
0x48: {  	_ =	shalt  }
0x49: {  	_ =	shalt  }
0x4a: {  	_ =	shalt  }
0x4b: {  	_ =	shalt  }
0x4c: {  	_ =	shalt  }
0x4d: {  	_ =	shalt  }
0x4e: {  	_ =	shalt  }
0x4f: {  	_ =	shalt  }
0x50: {  	_ =	shalt  }
0x51: {  	_ =	shalt  }
0x52: {  	_ =	shalt  }
0x53: {  	_ =	shalt  }
0x54: {  	_ =	shalt  }
0x55: {  	_ =	shalt  }
0x56: {  	_ =	shalt  }
0x57: {  	_ =	shalt  }
0x58: {  	_ =	shalt  }
0x59: {  	_ =	shalt  }
0x5a: {  	_ =	shalt  }
0x5b: {  	_ =	shalt  }
0x5c: {  	_ =	shalt  }
0x5d: {  	_ =	shalt  }
0x5e: {  	_ =	shalt  }
0x5f: {  	_ =	shalt  }
0x60: {  	_ =	shalt  }
0x61: {  	_ =	shalt  }
0x62: {  	_ =	shalt  }
0x63: {  	_ =	shalt  }
0x64: {  	_ =	shalt  }
0x65: {  	_ =	shalt  }
0x66: {  	_ =	shalt  }
0x67: {  	_ =	shalt  }
0x68: {  	_ =	shalt  }
0x69: {  	_ =	shalt  }
0x6a: {  	_ =	shalt  }
0x6b: {  	_ =	shalt  }
0x6c: {  	_ =	shalt  }
0x6d: {  	_ =	shalt  }
0x6e: {  	_ =	shalt  }
0x6f: {  	_ =	shalt  }
0x70: {  	_ =	shalt  }
0x71: {  	_ =	shalt  }
0x72: {  	_ =	shalt  }
0x73: {  	_ =	shalt  }
0x74: {  	_ =	shalt  }
0x75: {  	_ =	shalt  }
0x76: {  	_ =	shalt  }
0x77: {  	_ =	shalt  }
0x78: {  	_ =	shalt  }
0x79: {  	_ =	shalt  }
0x7a: {  	_ =	shalt  }
0x7b: {  	_ =	shalt  }
0x7c: {  	_ =	shalt  }
0x7d: {  	_ =	shalt  }
0x7e: {  	_ =	shalt  }
0x7f: {  	_ =	shalt  }
0x80: {  	_ =	shalt  }
0x81: {  	_ =	shalt  }
0x82: {  	_ =	shalt  }
0x83: {  	_ =	shalt  }
0x84: {  	_ =	shalt  }
0x85: {  	_ =	shalt  }
0x86: {  	_ =	shalt  }
0x87: {  	_ =	shalt  }
.Lfunc_end0:
.L_simem_size_0:
called_computation_lowered:
.L_overlay_start_0:
0x88: {  	s2 =	sld [smem:$0x3FD9]  }
0x89: {  	s3 =	sld [smem:$0x3FFE];
	_ =	sdelay $0x1  }
0x8a: {  	s1 =	srdreg.scid  }
0x8b: {  	s0 =	sand.u32 $0x1, s1  }
0x8c: {  	s16 =	sshll.u32 s0, $0xA;
	s2 =	sadd.s32 s3, s2  }
0x8d: {  	s2 =	sadd.s32 s2, s16  }
0x8e: {  	[smem:$0x3FC6] =	sst s2  }
0x8f: {  	_ = 	snop  }
0x90: {  	(tm) =	ssettm $0x1  }
0x91: {  	s17 =	sld [smem:$0x3FFB];
	_ =	sdelay $0x3  }
0x92: {  	_ =	strace s17  }
0x93: {  	s2 =	sld [smem:$0x3FFC];
	_ =	sdelay $0x3  }
0x94: {  	_ =	strace s2  }
0x95: {  	s2 =	sld [smem:$0x3FFD];
	_ =	sdelay $0x3  }
0x96: {  	_ =	strace s2  }
0x97: {  	_ =	strace $0x8FFFFFFF  }
0x98: {  	s18 =	sld [smem:$0x3FDB];
	_ =	sdelay $0x1  }
0x99: {  	s19 =	simm.s32 $_scs_section_size  }
0x9a: {  	s4 =	simm.s32 $_size__tile_overlayer_lowered;
	s5 =	simm.s32 $_tile_overlayer_lowered  }
0x9b: {  	s22 =	simm.s32 $0x1BFF;
	s21 =	sshll.u32 s5, $0x1;
	s2 =	sadd.s32 s19, s18  }
0x9c: {  	s6 =	simm.s32 $0x0;
	s20 =	sshll.u32 s4, $0x1;
	s4 =	sadd.s32 s21, s2  }
0x9d: {  	[timem:s6], [sflag:s22] =	dma.local [hbm:s4], s20  }
0x9e: {  	_ =	swait.ge [sflag:s22], s20  }
0x9f: {  	s3 =	ssub.s32 $0x0, s20;
	[sflag:s22] =	ssyncset.done $0x0  }
0xa0: {  	[sflag:s22] =	ssyncadd.s32 s3;
	_ =	sdelay $0x1  }
0xa1: {  	s23 =	simm.s32 $0x1B8B  }
0xa2: {  	_ =	swait.ge [sflag:s23], $0x1  }
0xa3: {  	[sflag:s23] =	ssyncset.done $0x0  }
0xa4: {  	s25 =	simm.s32 $0x1B8E;
	s24 =	sld [smem:$0x3FFE];
	[sflag:s23] =	ssyncadd.s32 $0xFFFFFFFF  }
0xa5: {  	s26 =	simm.s32 $execute0_lowered;
	[smem:$0x3FD2] =	sst s25  }
0xa6: {  	s4 =	sshll.u32 s26, $0x1;
	_ =	strace $0x80000046;
	[dreg:$0x1] =	wrdreg $0xFFFFFFFF  }
0xa7: {  	s28 =	simm.s32 $_size_execute0_lowered;
	s2 =	sadd.s32 s2, s4;
	[dreg:$0x0] =	wrdreg $0x0  }
0xa8: {  	s4 =	sshll.u32 s28, $0x1;
	[dreg:$0x2] =	wrdreg s2  }
0xa9: {  	[dreg:$0x3] =	wrdreg s4  }
0xaa: {  	[dreg:$0x4] =	wrdreg $0xC0  }
0xab: {  	_ =	task [dreg:s6], $0x5FFFF  }
0xac: {  	[dreg:$0x1] =	wrdreg $0xFFFFFFFF  }
0xad: {  	[dreg:$0x0] =	wrdreg $0x60  }
0xae: {  	[dreg:$0x2] =	wrdreg s24  }
0xaf: {  	[dreg:$0x3] =	wrdreg $0x9  }
0xb0: {  	_ =	task.clear_ibuf [dreg:s6], $0x4FFFF;
	_ =	strace $0x90000046  }
0xb1: {  	s29 =	simm.s32 $0x9;
	_ =	strace $0x80000048  }
0xb2: {  	_ =	swait.ge [sflag:s29], $0x1  }
0xb3: {  	[sflag:s29] =	ssyncadd.s32 $0xFFFFFFFF  }
0xb4: {  	_ =	strace $0x90000048  }
0xb5: {  	_ =	sfence  }
0xb6: {  	s30 =	sld [smem:$0x0];
	_ =	sdelay $0x2  }
0xb7: {  	s31 =	sshll.u32 s1, $0xD;
	s1 =	sshrl.u32 s1, $0x2  }
0xb8: {  	s3 =	sand.u32 $0x4000, s31;
	s1 =	sadd.s32 s1, s30  }
0xb9: {  	s0 =	sor.u32 s3, s0;
	s1 =	sshll.u32 s1, $0x11  }
0xba: {  	s0 =	sor.u32 s1, s0  }
0xbb: {  	s0 =	sadd.s32 $0x8F2B, s0  }
0xbc: {  	[sflag:s0] =	ssyncadd.remote.s32 $0x1  }
0xbd: {  	_ =	sfence.sel $0xFFFF  }
0xbe: {  	[dreg:$0x0] =	wrdreg $0xFFFFFFFF;
	(pc) =	sbr.abs _section_cstart, $3  }
0xbf: {  	[dreg:$0x1] =	wrdreg $0xFFFFFFFF  }
0xc0: {  	_ =	task.clear_ibuf [dreg:s6], $0x2FFFF;
	_ =	strace $0x9FFFFFFF  }
0xc1: {  	(tm) =	ssettm $0x7FFFFFFF  }
tec
execute0_lowered:
.L_overlay_start_1:
0x0: {  	(tag) =	ssettag $0x1  }
0x1: {  	s4 =	rddreg [dreg:$0x0];
	v0 =	vimm.s32 $0xFFEDCBA9;
	v1 =	vimm.s32 $0x87654321  }
0x2: {  	s0 =	rddreg [dreg:$0x1];
	s3 =	srdreg.scid;
	v2 =	vimm.s32 $0xEDCBA987;
	v0 =	vunpack.c.l.s4.s8 v0;
	v1 =	vunpack.c.l.s4.s8 v1  }
0x3: {  	s1 =	stileid.u32;
	s2 =	simm.s32 $0x0;
	v3 =	vimm.s32 $0x65432100;
	s10 =	simm.s32 $0x2000;
	v2 =	vunpack.c.l.s4.s8 v2  }
0x4: {  	s11 =	simm.s32 $0x4800;
	s3 =	sand.u32 $0x1, s3;
	s5 =	sshll.u32 s1, $0x1;
	v3 =	vunpack.c.l.s4.s8 v3;
	v0 =	vunpack.c.0.s8.s32 v0;
	v1 =	vunpack.c.0.s8.s32 v1  }
0x5: {  	s12 =	simm.s32 $0x0;
	[smem:$0x7FF] =	sst s2;
	s5 =	sor.u32 s3, s5;
	v2 =	vunpack.c.0.s8.s32 v2  }
0x6: {  	_ =	strace $0x80000047;
	s7 =	ssub.s32 $0x2, s3;
	s3 =	sadd.s32 $0x81000, s4;
	v63 =	vunpack.c.0.s8.s32 v3;
	v0 =	vcombine.low v1, v0  }
0x7: {  	s6 =	sshll.u32 s5, $0xA;
	s5 =	sshll.u32 s5, $0x4;
	s8 =	sshrl.u32 s7, $0x1;
	v2 =	vand.u32 $0xF, v2  }
0x8: {  	s6 =	sadd.s32 s6, s4;
	s9 =	sadd.s32 s5, s4;
	s7 =	ssub.s32 s7, s8;
	v50 =	vcombine.low v63, v2;
	v49 =	vand.u32 $0xF, v0  }
0x9: {  	s8 =	simm.s32 $0x4000;
	s4 =	sadd.s32 $0x1000, s6;
	s5 =	sadd.s32 $0x41000, s6;
	[tilespmem:$0x1FFE0] =	vst v49  }
0xa: {  	s6 =	sadd.s32 $0x81200, s9;
	s7 =	smax.u32 s7, $0x1;
	s9 =	simm.s32 $0x1;
	[tilespmem:$0x1FFF0] =	vst v50  }
.LBB2_1:
0xb: {  	[tilespmem:s8], [sflag:$0x1] =	stream.linear.gather [hbm4b:s3+s2], $0x600, $0x38;
	[tilespmem:$0x4880] =	vst v63  }
0xc: {  	_ =	swait.ge [sflag:s9], $0x600  }
0xd: {  	[sflag:s9] =	ssyncset.done $0x0  }
0xe: {  	[sflag:s9] =	ssyncadd.s32 $0xFFFFFA00  }
0xf: {  	v53 =	vld [tilespmem:$0x4000]  }
0x10: {  	v47 =	vld [tilespmem:$0x4080]  }
0x11: {  	v43 =	vld [tilespmem:$0x4100]  }
0x12: {  	v36 =	vld [tilespmem:$0x4180]  }
0x13: {  	v54 =	vld [tilespmem:$0x4200]  }
0x14: {  	v48 =	vld [tilespmem:$0x4280]  }
0x15: {  	v44 =	vld [tilespmem:$0x4300]  }
0x16: {  	v55 =	vld [tilespmem:$0x4380]  }
0x17: {  	v56 =	vld [tilespmem:$0x4400]  }
0x18: {  	v57 =	vld [tilespmem:$0x4480]  }
0x19: {  	v37 =	vld [tilespmem:$0x4500]  }
0x1a: {  	v31 =	vld [tilespmem:$0x4580];
	[tilespmem:s2], [sflag:$0x1] =	stream.linear.gather [hbm4b:s4+s2], $0x2000, $0x38  }
0x1b: {  	_ =	swait.ge [sflag:s9], $0x2000  }
0x1c: {  	[sflag:s9] =	ssyncset.done $0x0  }
0x1d: {  	[sflag:s9] =	ssyncadd.s32 $0xFFFFE000  }
0x1e: {  	[tilespmem:s10], [sflag:$0x1] =	stream.linear.gather [hbm4b:s5+s2], $0x2000, $0x38;
	[tilespmem:$0x4880] =	vst v63  }
0x1f: {  	_ =	swait.ge [sflag:s9], $0x2000  }
0x20: {  	[sflag:s9] =	ssyncset.done $0x0  }
0x21: {  	s13 =	simm.s32 $0x0;
	[sflag:s9] =	ssyncadd.s32 $0xFFFFE000  }
0x22: {  	v0 =	vld [tilespmem:s13+$0x22]  }
0x23: {  	v1 =	vld [tilespmem:s13+$0xA2]  }
0x24: {  	v2 =	vld [tilespmem:s13+$0x122]  }
0x25: {  	v3 =	vld [tilespmem:s13+$0x1A2]  }
0x26: {  	v4 =	vld [tilespmem:s13+$0x1F]  }
0x27: {  	v5 =	vld [tilespmem:s13+$0x9F]  }
0x28: {  	v6 =	vld [tilespmem:s13+$0x11F]  }
0x29: {  	v7 =	vld [tilespmem:s13+$0x19F]  }
0x2a: {  	v8 =	vld [tilespmem:s13+$0xF]  }
0x2b: {  	v9 =	vld [tilespmem:s13+$0x20]  }
0x2c: {  	v10 =	vld [tilespmem:s13+$0x21]  }
0x2d: {  	v11 =	vld [tilespmem:s13+$0x23]  }
0x2e: {  	v12 =	vld [tilespmem:s13+$0x8F]  }
0x2f: {  	v13 =	vld [tilespmem:s13+$0xA0]  }
0x30: {  	v14 =	vld [tilespmem:s13+$0xA1]  }
0x31: {  	v15 =	vld [tilespmem:s13+$0xA3]  }
0x32: {  	v16 =	vld [tilespmem:s13+$0x10F]  }
0x33: {  	v17 =	vld [tilespmem:s13+$0x120]  }
0x34: {  	v18 =	vld [tilespmem:s13+$0x121]  }
0x35: {  	v19 =	vld [tilespmem:s13+$0x123]  }
0x36: {  	v20 =	vld [tilespmem:s13+$0x18F]  }
0x37: {  	v21 =	vld [tilespmem:s13+$0x1A0]  }
0x38: {  	v22 =	vld [tilespmem:s13+$0x1A1]  }
0x39: {  	v24 =	vld [tilespmem:s13+$0x10]  }
0x3a: {  	v25 =	vld [tilespmem:s13+$0x11]  }
0x3b: {  	v26 =	vld [tilespmem:s13+$0x90]  }
0x3c: {  	v27 =	vld [tilespmem:s13+$0x91];
	v0 =	vmul.f32 v0, v31  }
0x3d: {  	v28 =	vld [tilespmem:s13+$0x110];
	v1 =	vmul.f32 v1, v31;
	v2 =	vmul.f32 v2, v31  }
0x3e: {  	v29 =	vld [tilespmem:s13+$0x111];
	v5 =	vmul.f32 v5, v37;
	v32 =	vmul.f32 v15, v36  }
0x3f: {  	v30 =	vld [tilespmem:s13+$0x190];
	v6 =	vmul.f32 v6, v37;
	v34 =	vmul.f32 v19, v36  }
0x40: {  	v35 =	vld [tilespmem:s13+$0x81];
	v7 =	vmul.f32 v7, v37;
	v8 =	vmul.f32 v8, v57  }
0x41: {  	v38 =	vld [tilespmem:s13+$0x101];
	v9 =	vmul.f32 v9, v43;
	v10 =	vmul.f32 v10, v44  }
0x42: {  	v40 =	vld [tilespmem:s13+$0x181];
	v12 =	vmul.f32 v12, v57;
	v13 =	vmul.f32 v13, v43  }
0x43: {  	v41 =	vld [tilespmem:s13+$0x2023];
	v14 =	vmul.f32 v14, v44;
	v15 =	vperm.xlane v15, v49  }
0x44: {  	v42 =	vld [tilespmem:s13+$0x20A3];
	v16 =	vmul.f32 v16, v57;
	v17 =	vmul.f32 v17, v43  }
0x45: {  	v60 =	vld [tilespmem:s13+$0x2123];
	v18 =	vmul.f32 v18, v44;
	v21 =	vmul.f32 v21, v43  }
0x46: {  	v61 =	vld [tilespmem:s13+$0x21A3];
	v22 =	vmul.f32 v22, v44;
	v24 =	vmul.f32 v24, v47  }
0x47: {  	v45 =	vld [tilespmem:s13+$0x2020];
	v25 =	vmul.f32 v25, v48;
	v26 =	vmul.f32 v26, v47  }
0x48: {  	v46 =	vld [tilespmem:s13+$0x20A0];
	v27 =	vmul.f32 v27, v48;
	v28 =	vmul.f32 v28, v47  }
0x49: {  	[tilespmem:$0x1FE10] =	vst v31;
	v62 =	vld [tilespmem:s13+$0x2120];
	v29 =	vmul.f32 v29, v48;
	v30 =	vmul.f32 v30, v47  }
0x4a: {  	[tilespmem:$0x1FE50] =	vst v43;
	v23 =	vld [tilespmem:s13+$0x1A3];
	v41 =	vadd.f32 $1.000000020e-16, v41;
	v42 =	vadd.f32 $1.000000020e-16, v42;
	v35 =	vmul.f32 v35, v54  }
0x4b: {  	[tilespmem:$0x1FE60] =	vst v44;
	v43 =	vadd.f32 $1.000000020e-16, v60;
	v38 =	vmul.f32 v38, v54;
	v19 =	vperm.xlane v19, v49  }
0x4c: {  	[tilespmem:$0x1FE70] =	vst v47;
	v33 =	vld [tilespmem:s13+$0x80];
	v45 =	vadd.f32 $1.000000020e-16, v45;
	v58 =	vmul.f32 v40, v54;
	v20 =	vmul.f32 v20, v57  }
0x4d: {  	v39 =	vld [tilespmem:s13+$0x180];
	v44 =	vadd.f32 $1.000000020e-16, v61;
	v46 =	vadd.f32 $1.000000020e-16, v46;
	[tilespmem:$0x1FE00] =	vst v2;
	v2 =	vmul.f32 v3, v31  }
0x4e: {  	v47 =	vadd.f32 $1.000000020e-16, v62;
	[tilespmem:$0x1FDF0] =	vst v1;
	v1 =	vld [tilespmem:s13+$0x191];
	v3 =	vmul.f32 v4, v37;
	v4 =	vmul.f32 v11, v36  }
0x4f: {  	[tilespmem:$0x1FE30] =	vst v37;
	v31 =	vld [tilespmem:s13+$0x1];
	v37 =	vmul.f32 v23, v36;
	v9 =	vadd.f32 v10, v9;
	v13 =	vadd.f32 v14, v13  }
0x50: {  	[tilespmem:$0x1FE40] =	vst v36;
	v36 =	vld [tilespmem:s13+$0x100];
	v11 =	vperm.xlane v11, v49;
	v17 =	vadd.f32 v18, v17;
	v18 =	vadd.f32 v22, v21  }
0x51: {  	v10 =	vld [tilespmem:s13+$0x21A0];
	v22 =	vmul.f32 v33, v53;
	v24 =	vadd.f32 v25, v24;
	v51 =	vadd.f32 v27, v26  }
0x52: {  	v14 =	vld [tilespmem:s13+$0x2010];
	v52 =	vadd.f32 v29, v28;
	v23 =	vperm.xlane v23, v49;
	v33 =	vperm.xlane v33, v50  }
0x53: {  	v21 =	vld [tilespmem:s13+$0x2090];
	v15 =	vmul.f32 v15, v55;
	v19 =	vmul.f32 v19, v55;
	v22 =	vadd.f32 v35, v22  }
0x54: {  	v25 =	vld [tilespmem:s13+$0x2110];
	v11 =	vmul.f32 v11, v55;
	v23 =	vmul.f32 v23, v55;
	v28 =	vadd.f32 v13, v5  }
0x55: {  	v26 =	vld [tilespmem:s13+$0x2190];
	v5 =	vshrl.u32 v43, $0x17;
	v7 =	vadd.f32 v18, v7;
	v18 =	vand.u32 $0x7FFFFF, v44  }
0x56: {  	[tilespmem:$0x1FE20] =	vst v2;
	v5 =	vand.u32 $0xFF, v5;
	v4 =	vadd.f32 v11, v4;
	v11 =	vshrl.u32 v44, $0x17  }
0x57: {  	v2 =	vld [tilespmem:s13+$0x0];
	[tilespmem:$0x1FF50] =	vst v7;
	v7 =	vshrl.u32 v47, $0x17;
	v5 =	vadd.s32 $0xFFFFFF81, v5;
	v1 =	vmul.f32 v1, v48  }
0x58: {  	v31 =	vmul.f32 v31, v54;
	v14 =	vadd.f32 $1.000000020e-16, v14;
	v10 =	vadd.f32 $1.000000020e-16, v10  }
0x59: {  	v29 =	vmul.f32 v36, v53;
	v21 =	vadd.f32 $1.000000020e-16, v21;
	v59 =	vadd.f32 $1.000000020e-16, v25  }
0x5a: {  	v25 =	vperm.xlane v36, v50;
	v61 =	vadd.f32 $1.000000020e-16, v26;
	v26 =	vperm.xlane v39, v50  }
0x5b: {  	[tilespmem:$0x1FEA0] =	vst v22;
	v22 =	vld [tilespmem:s13+$0x2080];
	v11 =	vand.u32 $0xFF, v11;
	v7 =	vand.u32 $0xFF, v7;
	v40 =	vadd.f32 v4, v0  }
0x5c: {  	v4 =	vand.u32 $0x7FFFFF, v41;
	v63 =	vmul.f32 v2, v53;
	v1 =	vadd.f32 v1, v30  }
0x5d: {  	v2 =	vperm.xlane v2, v50;
	v13 =	vshrl.u32 v10, $0x17;
	v0 =	vshrl.u32 v61, $0x17  }
0x5e: {  	v10 =	vand.u32 $0x7FFFFF, v10;
	v36 =	vand.u32 $0x7FFFFF, v61;
	v13 =	vand.u32 $0xFF, v13  }
0x5f: {  	[tilespmem:$0x1FE80] =	vst v48;
	v0 =	vand.u32 $0xFF, v0;
	v48 =	vor.u32 $0x3F800000, v36;
	v27 =	vadd.f32 v31, v63  }
0x60: {  	v31 =	vmul.f32 v39, v53;
	v22 =	vadd.f32 $1.000000020e-16, v22;
	v2 =	vmul.f32 v2, v56  }
0x61: {  	v30 =	vld [tilespmem:s13+$0x2000];
	v39 =	vmul.f32 v33, v56;
	v33 =	vadd.f32 v23, v37;
	v37 =	vadd.f32 v24, v8  }
0x62: {  	[tilespmem:$0x1FED0] =	vst v57;
	v8 =	vshrl.u32 v14, $0x17;
	v1 =	vadd.f32 v1, v20;
	v20 =	vand.u32 $0x7FFFFF, v46  }
0x63: {  	[tilespmem:$0x1FEE0] =	vst v55;
	v23 =	vand.u32 $0x7FFFFF, v47;
	v14 =	vand.u32 $0x7FFFFF, v14;
	v8 =	vand.u32 $0xFF, v8  }
0x64: {  	v57 =	vor.u32 $0x3F800000, v23;
	v55 =	vor.u32 $0x3F800000, v14;
	[tilespmem:$0x1FE90] =	vst v27;
	v27 =	vadd.f32 v38, v29  }
0x65: {  	v38 =	vadd.f32 v58, v31;
	[tilespmem:$0x1FEF0] =	vst v2;
	v2 =	vmul.f32 v25, v56;
	v25 =	vshrl.u32 v22, $0x17  }
0x66: {  	v22 =	vand.u32 $0x7FFFFF, v22;
	v60 =	vadd.f32 $1.000000020e-16, v30;
	v30 =	vadd.f32 v15, v32  }
0x67: {  	v15 =	vshrl.u32 v59, $0x17;
	v25 =	vand.u32 $0xFF, v25;
	v44 =	vor.u32 $0x3F800000, v22  }
0x68: {  	v29 =	vld [tilespmem:s13+$0x2100];
	[tilespmem:$0x1FF00] =	vst v2;
	v2 =	vadd.f32 v17, v6;
	v6 =	vmul.f32 v26, v56;
	v17 =	vand.u32 $0x7FFFFF, v43  }
0x69: {  	[tilespmem:$0x1FF20] =	vst v56;
	v31 =	vld [tilespmem:s13+$0x2180];
	v15 =	vand.u32 $0xFF, v15;
	v56 =	vor.u32 $0x3F800000, v10;
	v10 =	vadd.s32 $0xFFFFFF81, v7  }
0x6a: {  	[tilespmem:$0x1FF60] =	vst v1;
	v50 =	vadd.s32 $0xFFFFFF81, v25;
	v22 =	vmul.f32 $2.456853910e-02, v44;
	v1 =	vshrl.u32 v60, $0x17  }
0x6b: {  	v24 =	vand.u32 $0x7FFFFF, v60;
	v60 =	vor.u32 $0x3F800000, v4;
	[tilespmem:$0x1FF10] =	vst v2;
	v2 =	vshrl.u32 v45, $0x17  }
0x6c: {  	[tilespmem:$0x1FF30] =	vst v6;
	v6 =	vadd.f32 v19, v34;
	v34 =	vadd.f32 v52, v16;
	v16 =	vand.u32 $0x7FFFFF, v42  }
0x6d: {  	v19 =	vand.u32 $0x7FFFFF, v45;
	v1 =	vand.u32 $0xFF, v1;
	v22 =	vsub.f32 $2.650243040e-01, v22  }
0x6e: {  	v45 =	vor.u32 $0x3F800000, v24;
	v62 =	vadd.f32 $1.000000020e-16, v29;
	v63 =	vadd.f32 $1.000000020e-16, v31  }
0x6f: {  	v29 =	vadd.f32 v9, v3;
	v3 =	vshrl.u32 v41, $0x17;
	v9 =	vshrl.u32 v42, $0x17  }
0x70: {  	v31 =	vadd.f32 v51, v12;
	v12 =	vshrl.u32 v21, $0x17;
	v21 =	vand.u32 $0x7FFFFF, v21  }
0x71: {  	v51 =	vand.u32 $0x7FFFFF, v59;
	v2 =	vand.u32 $0xFF, v2;
	v61 =	vor.u32 $0x3F800000, v16  }
0x72: {  	v41 =	vadd.s32 $0xFFFFFF81, v0;
	v52 =	vadd.s32 $0xFFFFFF81, v1;
	v0 =	vmul.f32 $2.456853910e-02, v60  }
0x73: {  	[tilespmem:$0x1FF40] =	vst v6;
	v6 =	vshrl.u32 v46, $0x17;
	v3 =	vand.u32 $0xFF, v3;
	v9 =	vand.u32 $0xFF, v9  }
0x74: {  	[tilespmem:$0x1FEC0] =	vst v54;
	v12 =	vand.u32 $0xFF, v12;
	v54 =	vor.u32 $0x3F800000, v21;
	v49 =	vor.u32 $0x3F800000, v51  }
0x75: {  	v2 =	vadd.s32 $0xFFFFFF81, v2;
	v51 =	vadd.s32 $0xFFFFFF81, v15;
	v1 =	vmul.f32 $2.456853910e-02, v61  }
0x76: {  	v21 =	vmul.f32 $2.456853910e-02, v45;
	v22 =	vmul.f32 v44, v22;
	v58 =	vshrl.u32 v62, $0x17  }
0x77: {  	v35 =	vand.u32 $0x7FFFFF, v62;
	v59 =	vshrl.u32 v63, $0x17;
	v43 =	vand.u32 $0x7FFFFF, v63  }
0x78: {  	v6 =	vand.u32 $0xFF, v6;
	v62 =	vor.u32 $0x3F800000, v17;
	v63 =	vor.u32 $0x3F800000, v18  }
0x79: {  	v3 =	vadd.s32 $0xFFFFFF81, v3;
	v4 =	vadd.s32 $0xFFFFFF81, v9;
	v9 =	vadd.s32 $0xFFFFFF81, v11  }
0x7a: {  	[tilespmem:$0x1FEB0] =	vst v53;
	v11 =	vadd.s32 $0xFFFFFF81, v13;
	v13 =	vadd.s32 $0xFFFFFF81, v8;
	v53 =	vadd.s32 $0xFFFFFF81, v12  }
0x7b: {  	v46 =	vand.u32 $0xFF, v58;
	v16 =	vand.u32 $0xFF, v59;
	v59 =	vor.u32 $0x3F800000, v19  }
0x7c: {  	v58 =	vor.u32 $0x3F800000, v20;
	v42 =	vor.u32 $0x3F800000, v35;
	v8 =	vcvt.s32.f32 v3  }
0x7d: {  	v43 =	vor.u32 $0x3F800000, v43;
	v4 =	vcvt.s32.f32 v4;
	v3 =	vcvt.s32.f32 v5  }
0x7e: {  	v6 =	vadd.s32 $0xFFFFFF81, v6;
	v7 =	vcvt.s32.f32 v9;
	v5 =	vcvt.s32.f32 v2  }
0x7f: {  	v2 =	vmul.f32 $2.456853910e-02, v62;
	v12 =	vsub.f32 $2.650243040e-01, v1;
	v1 =	vmul.f32 $2.456853910e-02, v63  }
0x80: {  	v9 =	vsub.f32 $2.650243040e-01, v0;
	v19 =	vmul.f32 $2.456853910e-02, v49;
	v20 =	vmul.f32 $2.456853910e-02, v48  }
0x81: {  	v21 =	vsub.f32 $2.650243040e-01, v21;
	v26 =	vadd.s32 $0xFFFFFF81, v46;
	v14 =	vmul.f32 $2.456853910e-02, v59  }
0x82: {  	v46 =	vadd.s32 $0xFFFFFF81, v16;
	v0 =	vcvt.s32.f32 v6;
	v6 =	vmul.f32 $2.456853910e-02, v57  }
0x83: {  	v23 =	vmul.f32 $2.456853910e-02, v42;
	v24 =	vmul.f32 $2.456853910e-02, v43;
	v15 =	vsub.f32 $2.650243040e-01, v2  }
0x84: {  	v2 =	vmul.f32 $2.456853910e-02, v58;
	v16 =	vsub.f32 $2.650243040e-01, v1;
	v1 =	vcvt.s32.f32 v10  }
0x85: {  	v22 =	vadd.f32 $-1.229290960e+00, v22;
	v10 =	vmul.f32 $2.456853910e-02, v56;
	v9 =	vmul.f32 v60, v9  }
0x86: {  	v12 =	vmul.f32 v61, v12;
	v19 =	vsub.f32 $2.650243040e-01, v19;
	v20 =	vsub.f32 $2.650243040e-01, v20  }
0x87: {  	v21 =	vmul.f32 v45, v21;
	v22 =	vmul.f32 v44, v22;
	v14 =	vsub.f32 $2.650243040e-01, v14  }
0x88: {  	v18 =	vsub.f32 $2.650243040e-01, v6;
	v6 =	vcvt.s32.f32 v13;
	v23 =	vsub.f32 $2.650243040e-01, v23  }
0x89: {  	v13 =	vmul.f32 $2.456853910e-02, v54;
	v24 =	vsub.f32 $2.650243040e-01, v24;
	v17 =	vsub.f32 $2.650243040e-01, v2  }
0x8a: {  	v2 =	vcvt.s32.f32 v11;
	v11 =	vmul.f32 $2.456853910e-02, v55;
	v10 =	vsub.f32 $2.650243040e-01, v10  }
0x8b: {  	v15 =	vmul.f32 v62, v15;
	v16 =	vmul.f32 v63, v16;
	v9 =	vadd.f32 $-1.229290960e+00, v9  }
0x8c: {  	v19 =	vmul.f32 v49, v19;
	v12 =	vadd.f32 $-1.229290960e+00, v12;
	v20 =	vmul.f32 v48, v20  }
0x8d: {  	v21 =	vadd.f32 $-1.229290960e+00, v21;
	v22 =	vadd.f32 $3.212800260e+00, v22;
	v14 =	vmul.f32 v59, v14  }
0x8e: {  	v13 =	vsub.f32 $2.650243040e-01, v13;
	v18 =	vmul.f32 v57, v18;
	v23 =	vmul.f32 v42, v23  }
0x8f: {  	v24 =	vmul.f32 v43, v24;
	v11 =	vsub.f32 $2.650243040e-01, v11;
	v17 =	vmul.f32 v58, v17  }
0x90: {  	v10 =	vmul.f32 v56, v10;
	v15 =	vadd.f32 $-1.229290960e+00, v15;
	v16 =	vadd.f32 $-1.229290960e+00, v16  }
0x91: {  	v19 =	vadd.f32 $-1.229290960e+00, v19;
	v9 =	vmul.f32 v60, v9;
	v12 =	vmul.f32 v61, v12  }
0x92: {  	v20 =	vadd.f32 $-1.229290960e+00, v20;
	v21 =	vmul.f32 v45, v21;
	v14 =	vadd.f32 $-1.229290960e+00, v14  }
0x93: {  	v13 =	vmul.f32 v54, v13;
	v18 =	vadd.f32 $-1.229290960e+00, v18;
	v23 =	vadd.f32 $-1.229290960e+00, v23  }
0x94: {  	v24 =	vadd.f32 $-1.229290960e+00, v24;
	v11 =	vmul.f32 v55, v11;
	v17 =	vadd.f32 $-1.229290960e+00, v17  }
0x95: {  	v10 =	vadd.f32 $-1.229290960e+00, v10;
	v15 =	vmul.f32 v62, v15;
	v16 =	vmul.f32 v63, v16  }
0x96: {  	v9 =	vadd.f32 $3.212800260e+00, v9;
	v19 =	vmul.f32 v49, v19;
	v20 =	vmul.f32 v48, v20  }
0x97: {  	v12 =	vadd.f32 $3.212800260e+00, v12;
	v21 =	vadd.f32 $3.212800260e+00, v21;
	v14 =	vmul.f32 v59, v14  }
0x98: {  	v18 =	vmul.f32 v57, v18;
	v23 =	vmul.f32 v42, v23;
	v11 =	vadd.f32 $-1.229290960e+00, v11  }
0x99: {  	v13 =	vadd.f32 $-1.229290960e+00, v13;
	v24 =	vmul.f32 v43, v24;
	v17 =	vmul.f32 v58, v17  }
0x9a: {  	v15 =	vadd.f32 $3.212800260e+00, v15;
	v16 =	vadd.f32 $3.212800260e+00, v16;
	v11 =	vmul.f32 v55, v11  }
0x9b: {  	v19 =	vadd.f32 $3.212800260e+00, v19;
	v12 =	vmul.f32 v61, v12;
	v13 =	vmul.f32 v54, v13  }
0x9c: {  	v18 =	vadd.f32 $3.212800260e+00, v18;
	v16 =	vmul.f32 v63, v16;
	v11 =	vadd.f32 $3.212800260e+00, v11  }
0x9d: {  	v9 =	vmul.f32 v60, v9;
	v35 =	vadd.f32 $-5.261682510e+00, v12;
	v13 =	vadd.f32 $3.212800260e+00, v13  }
0x9e: {  	v18 =	vmul.f32 v57, v18;
	v12 =	vadd.f32 $-5.261682510e+00, v16;
	v47 =	vmul.f32 v55, v11  }
0x9f: {  	v20 =	vadd.f32 $3.212800260e+00, v20;
	v11 =	vmul.f32 v54, v13;
	v13 =	vmul.f32 v49, v19  }
0xa0: {  	v10 =	vmul.f32 v56, v10;
	v14 =	vadd.f32 $3.212800260e+00, v14;
	v9 =	vadd.f32 $-5.261682510e+00, v9;
	[tilespmem:$0x1FF80] =	vst v12  }
0xa1: {  	v36 =	vmul.f32 v45, v21;
	v17 =	vadd.f32 $3.212800260e+00, v17;
	[tilespmem:$0x1FF70] =	vst v13;
	v13 =	vadd.f32 $-5.261682510e+00, v18;
	v18 =	vld [tilespmem:$0x1FF80]  }
0xa2: {  	v23 =	vadd.f32 $3.212800260e+00, v23;
	v15 =	vmul.f32 v62, v15;
	v21 =	vmul.f32 v60, v9;
	v9 =	vld [tilespmem:$0x1FF70]  }
0xa3: {  	v10 =	vadd.f32 $3.212800260e+00, v10;
	v14 =	vmul.f32 v59, v14;
	v17 =	vmul.f32 v58, v17  }
0xa4: {  	v24 =	vadd.f32 $3.212800260e+00, v24;
	v20 =	vmul.f32 v48, v20;
	v32 =	vadd.f32 $-5.261682510e+00, v15  }
0xa5: {  	v10 =	vmul.f32 v56, v10;
	v25 =	vadd.f32 $-5.261682510e+00, v14;
	v19 =	vadd.f32 $-5.261682510e+00, v17  }
0xa6: {  	v12 =	vmul.f32 v44, v22;
	v15 =	vadd.f32 $-5.261682510e+00, v11;
	v11 =	vmul.f32 v43, v24;
	[tilespmem:$0x1FF90] =	vst v13  }
0xa7: {  	v24 =	vmul.f32 v63, v18;
	v18 =	vmul.f32 v58, v19;
	v19 =	vld [tilespmem:$0x1FF90];
	v14 =	vadd.f32 $-5.261682510e+00, v9  }
0xa8: {  	v9 =	vadd.f32 $-5.261682510e+00, v20;
	v20 =	vmul.f32 v59, v25;
	v25 =	vimm.f32 $0.0e+00  }
0xa9: {  	v16 =	vadd.f32 $-5.261682510e+00, v10;
	v22 =	vmul.f32 v61, v35;
	[tilespmem:$0x1FFA0] =	vst v25;
	v25 =	vimm.f32 $0.0e+00  }
0xaa: {  	v10 =	vadd.f32 $-5.261682510e+00, v36;
	v13 =	vmul.f32 v42, v23;
	[tilespmem:$0x1FFB0] =	vst v25;
	v25 =	vimm.f32 $0.0e+00  }
0xab: {  	v17 =	vadd.f32 $-5.261682510e+00, v47;
	v23 =	vmul.f32 v62, v32;
	[tilespmem:$0x1FFC0] =	vst v25;
	v25 =	vimm.f32 $0.0e+00  }
0xac: {  	s13 =	simm.s32 $0x800;
	v12 =	vadd.f32 $-5.261682510e+00, v12;
	v13 =	vadd.f32 $-5.261682510e+00, v13;
	v19 =	vmul.f32 v57, v19;
	[tilespmem:$0x1FFD0] =	vst v25  }
.LBB2_2:
0xad: {  	v25 =	vld [tilespmem:$0x1FEA0];
	v23 =	vadd.f32 $6.066871640e+00, v23  }
0xae: {  	v24 =	vadd.f32 $6.066871640e+00, v24  }
0xaf: {  	v22 =	vadd.f32 $6.066871640e+00, v22;
	v10 =	vmul.f32 v45, v10;
	v23 =	vmul.f32 v62, v23  }
0xb0: {  	v24 =	vmul.f32 v63, v24  }
0xb1: {  	v22 =	vmul.f32 v61, v22;
	v10 =	vadd.f32 $6.066871640e+00, v10;
	v23 =	vadd.f32 $-3.029151440e+00, v23  }
0xb2: {  	v24 =	vadd.f32 $-3.029151440e+00, v24;
	v39 =	vadd.f32 v25, v39;
	v25 =	vld [tilespmem:$0x1FF00]  }
0xb3: {  	v22 =	vadd.f32 $-3.029151440e+00, v22;
	v10 =	vmul.f32 v45, v10;
	v3 =	vadd.f32 v3, v23;
	v23 =	vld [tilespmem:$0x1FE90]  }
0xb4: {  	v7 =	vadd.f32 v7, v24;
	v24 =	vld [tilespmem:$0x1FEF0]  }
0xb5: {  	v10 =	vadd.f32 $-3.029151440e+00, v10;
	v4 =	vadd.f32 v4, v22;
	v22 =	vcvt.s32.f32 v52;
	_ =	sdelay $0x1  }
0xb6: {  	v10 =	vadd.f32 v22, v10;
	v35 =	vadd.f32 v27, v25;
	v25 =	vld [tilespmem:$0x1FF30]  }
0xb7: {  	s14 =	sshra.s32 s13, $0x2;
	v16 =	vmul.f32 v56, v16  }
0xb8: {  	v36 =	vcvt.s32.f32 v53;
	v53 =	vld [tilespmem:s14+$0x19F];
	v10 =	vmul.f32 $6.931471820e-01, v10;
	v23 =	vadd.f32 v23, v24  }
0xb9: {  	v47 =	vld [tilespmem:s14+$0x8F];
	v16 =	vadd.f32 $6.066871640e+00, v16  }
0xba: {  	v10 =	vmul.f32 v10, v23;
	v23 =	vld [tilespmem:$0x1FE00]  }
0xbb: {  	v21 =	vadd.f32 $6.066871640e+00, v21;
	v16 =	vmul.f32 v56, v16;
	v56 =	vadd.f32 v38, v25;
	v25 =	vld [tilespmem:$0x1FF40]  }
0xbc: {  	v32 =	vld [tilespmem:s14+$0x11]  }
0xbd: {  	v21 =	vmul.f32 v60, v21;
	v60 =	vcvt.s32.f32 v51;
	v51 =	vld [tilespmem:s14+$0xF]  }
0xbe: {  	v17 =	vmul.f32 v55, v17;
	v11 =	vadd.f32 $-5.261682510e+00, v11;
	v61 =	vld [tilespmem:s14+$0x21]  }
0xbf: {  	v15 =	vmul.f32 v54, v15;
	v14 =	vmul.f32 v49, v14;
	v20 =	vadd.f32 $6.066871640e+00, v20;
	v62 =	vld [tilespmem:s14+$0xA0]  }
0xc0: {  	v9 =	vmul.f32 v48, v9;
	v19 =	vadd.f32 $6.066871640e+00, v19;
	v23 =	vadd.f32 v25, v23;
	v25 =	vld [tilespmem:$0x1FE20]  }
0xc1: {  	v12 =	vmul.f32 v44, v12;
	v18 =	vadd.f32 $6.066871640e+00, v18;
	v13 =	vmul.f32 v42, v13;
	v63 =	vld [tilespmem:s14+$0xA1]  }
0xc2: {  	v17 =	vadd.f32 $6.066871640e+00, v17;
	v15 =	vadd.f32 $6.066871640e+00, v15;
	v19 =	vmul.f32 v57, v19;
	v57 =	vld [tilespmem:s14+$0x10]  }
0xc3: {  	v20 =	vmul.f32 v59, v20;
	v12 =	vadd.f32 $6.066871640e+00, v12;
	v18 =	vmul.f32 v58, v18;
	v58 =	vld [tilespmem:s14+$0x90]  }
0xc4: {  	v14 =	vadd.f32 $6.066871640e+00, v14;
	v11 =	vmul.f32 v43, v11;
	v9 =	vadd.f32 $6.066871640e+00, v9;
	v59 =	vld [tilespmem:s14+$0x91]  }
0xc5: {  	v20 =	vadd.f32 $-3.029151440e+00, v20;
	v12 =	vmul.f32 v44, v12;
	v33 =	vadd.f32 v33, v25;
	v25 =	vld [tilespmem:$0x1FFA0]  }
0xc6: {  	v13 =	vadd.f32 $6.066871640e+00, v13;
	v15 =	vmul.f32 v54, v15;
	v54 =	vld [tilespmem:s14+$0x22];
	v14 =	vmul.f32 v49, v14  }
0xc7: {  	v49 =	vld [tilespmem:s14+$0xA2];
	v12 =	vadd.f32 $-3.029151440e+00, v12;
	v5 =	vadd.f32 v5, v20;
	v20 =	vcvt.s32.f32 v50  }
0xc8: {  	v11 =	vadd.f32 $6.066871640e+00, v11;
	v21 =	vadd.f32 $-3.029151440e+00, v21;
	v9 =	vmul.f32 v48, v9;
	v48 =	vld [tilespmem:s14+$0x122]  }
0xc9: {  	v17 =	vmul.f32 v55, v17;
	v18 =	vadd.f32 $-3.029151440e+00, v18;
	v45 =	vld [tilespmem:s14+$0x1A2];
	v12 =	vadd.f32 v20, v12  }
0xca: {  	v19 =	vadd.f32 $-3.029151440e+00, v19;
	v13 =	vmul.f32 v42, v13;
	v10 =	vadd.f32 v10, v25;
	v25 =	vld [tilespmem:$0x1FFB0]  }
0xcb: {  	v44 =	vld [tilespmem:s14+$0x1F];
	v16 =	vadd.f32 $-3.029151440e+00, v16;
	v17 =	vadd.f32 $-3.029151440e+00, v17;
	v12 =	vmul.f32 $6.931471820e-01, v12  }
0xcc: {  	v42 =	vld [tilespmem:s14+$0x9F];
	v13 =	vadd.f32 $-3.029151440e+00, v13;
	v0 =	vadd.f32 v0, v18;
	v18 =	vcvt.s32.f32 v26  }
0xcd: {  	v55 =	vld [tilespmem:s14+$0x2110];
	v15 =	vadd.f32 $-3.029151440e+00, v15;
	v11 =	vmul.f32 v43, v11;
	v12 =	vmul.f32 v12, v39  }
0xce: {  	v43 =	vld [tilespmem:s14+$0x11F];
	v8 =	vadd.f32 v8, v21;
	v13 =	vadd.f32 v18, v13  }
0xcf: {  	v21 =	vcvt.s32.f32 v41;
	v11 =	vadd.f32 $-3.029151440e+00, v11;
	v12 =	vadd.f32 v12, v25;
	v25 =	vld [tilespmem:$0x1FFC0]  }
0xd0: {  	v41 =	vld [tilespmem:s14+$0x20];
	v2 =	vadd.f32 v2, v16;
	v16 =	vcvt.s32.f32 v46;
	v13 =	vmul.f32 $6.931471820e-01, v13  }
0xd1: {  	v50 =	vld [tilespmem:s14+$0x23];
	v6 =	vadd.f32 v6, v17;
	v15 =	vadd.f32 v36, v15  }
0xd2: {  	v1 =	vadd.f32 v1, v19;
	v19 =	vld [tilespmem:s14+$0x10F];
	v11 =	vadd.f32 v16, v11;
	v13 =	vmul.f32 v13, v35  }
0xd3: {  	v14 =	vadd.f32 $-3.029151440e+00, v14;
	v26 =	vld [tilespmem:s14+$0x180];
	v6 =	vmul.f32 $6.931471820e-01, v6;
	v15 =	vmul.f32 $6.931471820e-01, v15  }
0xd4: {  	v9 =	vadd.f32 $-3.029151440e+00, v9;
	v11 =	vmul.f32 $6.931471820e-01, v11;
	v13 =	vadd.f32 v13, v25;
	v25 =	vld [tilespmem:$0x1FFD0]  }
0xd5: {  	v52 =	vld [tilespmem:s14+$0x21A0];
	v6 =	vmul.f32 v6, v37;
	v15 =	vmul.f32 v15, v31  }
0xd6: {  	v8 =	vmul.f32 $6.931471820e-01, v8;
	v14 =	vadd.f32 v60, v14;
	v9 =	vadd.f32 v21, v9;
	v21 =	vld [tilespmem:$0x1FDF0]  }
0xd7: {  	v11 =	vmul.f32 v11, v56;
	v6 =	vadd.f32 v6, v10;
	v10 =	vadd.f32 v15, v12;
	v15 =	vld [tilespmem:$0x1FE10]  }
0xd8: {  	v17 =	vld [tilespmem:s14+$0xA3];
	v5 =	vmul.f32 $6.931471820e-01, v5;
	v0 =	vmul.f32 $6.931471820e-01, v0  }
0xd9: {  	v4 =	vmul.f32 $6.931471820e-01, v4;
	v14 =	vmul.f32 $6.931471820e-01, v14;
	v11 =	vadd.f32 v11, v25;
	v25 =	vld [tilespmem:$0x1FF60]  }
0xda: {  	v20 =	vld [tilespmem:s14+$0x120];
	v5 =	vmul.f32 v5, v29;
	v0 =	vmul.f32 v0, v28  }
0xdb: {  	v9 =	vmul.f32 $6.931471820e-01, v9;
	v8 =	vmul.f32 v8, v40;
	v21 =	vadd.f32 v30, v21;
	v12 =	vld [tilespmem:$0x1FF10]  }
0xdc: {  	v18 =	vld [tilespmem:s14+$0x121];
	v5 =	vadd.f32 v5, v6;
	v6 =	vadd.f32 v0, v10;
	v0 =	vmul.f32 v54, v15  }
0xdd: {  	v1 =	vmul.f32 $6.931471820e-01, v1;
	v22 =	vld [tilespmem:s14+$0x18F];
	v14 =	vmul.f32 v14, v34  }
0xde: {  	v36 =	vld [tilespmem:s14+$0x1A3];
	v4 =	vmul.f32 v4, v21;
	[tilespmem:$0x1FDB0] =	vst v0;
	v0 =	vadd.f32 v8, v5;
	v9 =	vmul.f32 v9, v25  }
0xdf: {  	v3 =	vmul.f32 $6.931471820e-01, v3;
	v27 =	vld [tilespmem:$0x1FED0];
	v13 =	vadd.f32 v14, v13  }
0xe0: {  	v1 =	vmul.f32 v1, v12;
	[tilespmem:$0x1FFA0] =	vst v0;
	v0 =	vadd.f32 v4, v6;
	v9 =	vadd.f32 v9, v11;
	v11 =	vld [tilespmem:$0x1FF50]  }
0xe1: {  	v60 =	vld [tilespmem:s14+$0x110]  }
0xe2: {  	v16 =	vld [tilespmem:s14+$0x123];
	v3 =	vmul.f32 v3, v23;
	v1 =	vadd.f32 v1, v13;
	[tilespmem:$0x1FFB0] =	vst v0;
	v0 =	vmul.f32 v49, v15  }
0xe3: {  	v2 =	vmul.f32 $6.931471820e-01, v2;
	v24 =	vld [tilespmem:s14+$0x1A0]  }
0xe4: {  	v7 =	vmul.f32 $6.931471820e-01, v7;
	[tilespmem:$0x1FDF0] =	vst v0;
	v0 =	vadd.f32 v3, v1;
	v1 =	vld [tilespmem:$0x1FE30]  }
0xe5: {  	v34 =	vmul.f32 v47, v27;
	v47 =	vld [tilespmem:s14+$0x20A3];
	v2 =	vmul.f32 v2, v11  }
0xe6: {  	v21 =	vld [tilespmem:s14+$0x1A1]  }
0xe7: {  	v23 =	vld [tilespmem:s14+$0x100];
	v7 =	vmul.f32 v7, v33;
	v2 =	vadd.f32 v2, v9  }
0xe8: {  	v10 =	vld [tilespmem:s14+$0x191]  }
0xe9: {  	v12 =	vld [tilespmem:s14+$0x111];
	[tilespmem:$0x1FFC0] =	vst v0;
	v4 =	vmul.f32 v44, v1;
	v0 =	vadd.f32 v7, v2  }
0xea: {  	v14 =	vld [tilespmem:s14+$0x80];
	v6 =	vmul.f32 v43, v1;
	v8 =	vmul.f32 v53, v1  }
0xeb: {  	v2 =	vmul.f32 v42, v1;
	v1 =	vld [tilespmem:$0x1FE50];
	[tilespmem:$0x1FFD0] =	vst v0;
	v0 =	vmul.f32 v48, v15  }
0xec: {  	v54 =	vld [tilespmem:s14+$0x2090]  }
0xed: {  	v13 =	vld [tilespmem:s14+$0x1];
	[tilespmem:$0x1FE00] =	vst v0;
	v0 =	vmul.f32 v45, v15  }
0xee: {  	v49 =	vld [tilespmem:s14+$0x2123]  }
0xef: {  	v40 =	vmul.f32 v19, v27;
	[tilespmem:$0x1FE20] =	vst v0;
	v0 =	vld [tilespmem:$0x1FE40]  }
0xf0: {  	v25 =	vld [tilespmem:s14+$0x101];
	v3 =	vmul.f32 v51, v27;
	v33 =	vmul.f32 v41, v1  }
0xf1: {  	v51 =	vld [tilespmem:s14+$0x20A0];
	v46 =	vmul.f32 v62, v1;
	v19 =	vmul.f32 v20, v1  }
0xf2: {  	v41 =	vmul.f32 v22, v27;
	v22 =	vmul.f32 v24, v1;
	v1 =	vld [tilespmem:$0x1FE80]  }
0xf3: {  	v53 =	vld [tilespmem:s14+$0x2010]  }
0xf4: {  	v11 =	vld [tilespmem:s14+$0x190];
	[tilespmem:$0x1FD90] =	vst v2;
	v5 =	vmul.f32 v50, v0;
	v2 =	vmul.f32 v17, v0  }
0xf5: {  	v7 =	vmul.f32 v16, v0;
	v31 =	vmul.f32 v36, v0;
	v0 =	vld [tilespmem:$0x1FFE0]  }
0xf6: {  	v9 =	vld [tilespmem:s14+$0x0]  }
0xf7: {  	v15 =	vld [tilespmem:s14+$0x81];
	v32 =	vmul.f32 v32, v1;
	v37 =	vmul.f32 v59, v1  }
0xf8: {  	v12 =	vmul.f32 v12, v1;
	v10 =	vmul.f32 v10, v1;
	v1 =	vld [tilespmem:$0x1FEC0]  }
0xf9: {  	[tilespmem:$0x1FDA0] =	vst v2;
	v2 =	vld [tilespmem:$0x1FE60]  }
0xfa: {  	v55 =	vadd.f32 $1.000000020e-16, v55;
	v20 =	vld [tilespmem:s14+$0x21A3];
	v45 =	vperm.xlane v50, v0;
	v17 =	vperm.xlane v17, v0  }
0xfb: {  	v16 =	vperm.xlane v16, v0;
	v36 =	vperm.xlane v36, v0;
	v0 =	vld [tilespmem:$0x1FE70]  }
0xfc: {  	v52 =	vadd.f32 $1.000000020e-16, v52;
	v29 =	vand.u32 $0x7FFFFF, v55;
	v47 =	vadd.f32 $1.000000020e-16, v47;
	v24 =	vld [tilespmem:s14+$0x2120]  }
0xfd: {  	v54 =	vadd.f32 $1.000000020e-16, v54;
	v49 =	vadd.f32 $1.000000020e-16, v49;
	v13 =	vmul.f32 v13, v1;
	v50 =	vld [tilespmem:s14+$0x2020]  }
0xfe: {  	v51 =	vadd.f32 $1.000000020e-16, v51;
	v43 =	vmul.f32 v61, v2;
	v61 =	vld [tilespmem:s14+$0x2023];
	v48 =	vmul.f32 v63, v2  }
0xff: {  	v53 =	vadd.f32 $1.000000020e-16, v53;
	v18 =	vmul.f32 v18, v2;
	v21 =	vmul.f32 v21, v2;
	v2 =	vld [tilespmem:$0x1FFF0]  }
0x100: {  	v20 =	vadd.f32 $1.000000020e-16, v20;
	v63 =	vld [tilespmem:s14+$0x2180];
	v38 =	vmul.f32 v57, v0;
	v35 =	vmul.f32 v58, v0  }
0x101: {  	v24 =	vadd.f32 $1.000000020e-16, v24;
	v39 =	vmul.f32 v60, v0;
	v11 =	vmul.f32 v11, v0;
	v0 =	vld [tilespmem:$0x1FEB0]  }
0x102: {  	v15 =	vmul.f32 v15, v1;
	v33 =	vadd.f32 v43, v33;
	v46 =	vadd.f32 v48, v46  }
0x103: {  	v42 =	vld [tilespmem:s14+$0x181];
	v25 =	vmul.f32 v25, v1;
	v18 =	vadd.f32 v18, v19;
	v19 =	vadd.f32 v21, v22  }
0x104: {  	v57 =	vld [tilespmem:s14+$0x2190];
	v50 =	vadd.f32 $1.000000020e-16, v50;
	v56 =	vperm.xlane v9, v2;
	v59 =	vperm.xlane v14, v2  }
0x105: {  	v58 =	vld [tilespmem:s14+$0x2000];
	v44 =	vadd.f32 $1.000000020e-16, v61;
	v62 =	vperm.xlane v23, v2;
	v27 =	vperm.xlane v26, v2  }
0x106: {  	v60 =	vld [tilespmem:s14+$0x2080];
	v43 =	vadd.f32 $1.000000020e-16, v63;
	v9 =	vmul.f32 v9, v0;
	v14 =	vmul.f32 v14, v0  }
0x107: {  	v21 =	vadd.f32 v32, v38;
	v23 =	vmul.f32 v23, v0;
	v26 =	vmul.f32 v26, v0;
	v0 =	vld [tilespmem:$0x1FEE0]  }
0x108: {  	v42 =	vmul.f32 v42, v1;
	v22 =	vadd.f32 v37, v35;
	v12 =	vadd.f32 v12, v39  }
0x109: {  	v61 =	vld [tilespmem:s14+$0x2100];
	v10 =	vadd.f32 v10, v11;
	v11 =	vshrl.u32 v47, $0x17;
	v35 =	vshrl.u32 v49, $0x17  }
0x10a: {  	v47 =	vand.u32 $0x7FFFFF, v47;
	v49 =	vand.u32 $0x7FFFFF, v49;
	v11 =	vand.u32 $0xFF, v11  }
0x10b: {  	v32 =	vshrl.u32 v44, $0x17;
	v58 =	vadd.f32 $1.000000020e-16, v58;
	v57 =	vadd.f32 $1.000000020e-16, v57  }
0x10c: {  	v60 =	vadd.f32 $1.000000020e-16, v60;
	v45 =	vmul.f32 v45, v0;
	v17 =	vmul.f32 v17, v0  }
0x10d: {  	v16 =	vmul.f32 v16, v0;
	v37 =	vmul.f32 v36, v0;
	v0 =	vadd.f32 v13, v9  }
0x10e: {  	v35 =	vand.u32 $0xFF, v35;
	v32 =	vand.u32 $0xFF, v32;
	v61 =	vadd.f32 $1.000000020e-16, v61  }
0x10f: {  	v38 =	vshrl.u32 v60, $0x17;
	v39 =	vshrl.u32 v57, $0x17;
	v28 =	vand.u32 $0x7FFFFF, v58;
	[tilespmem:$0x1FE90] =	vst v0;
	v0 =	vld [tilespmem:$0x1FF20]  }
0x110: {  	v30 =	vand.u32 $0x7FFFFF, v57;
	v39 =	vand.u32 $0xFF, v39;
	v38 =	vand.u32 $0xFF, v38  }
0x111: {  	v48 =	vor.u32 $0x3F800000, v30;
	v63 =	vshrl.u32 v61, $0x17;
	v36 =	vshrl.u32 v20, $0x17  }
0x112: {  	v9 =	vshrl.u32 v50, $0x17;
	v13 =	vshrl.u32 v51, $0x17;
	v20 =	vand.u32 $0x7FFFFF, v20  }
0x113: {  	v50 =	vand.u32 $0x7FFFFF, v50;
	v51 =	vand.u32 $0x7FFFFF, v51;
	v2 =	vand.u32 $0xFF, v63  }
0x114: {  	v9 =	vand.u32 $0xFF, v9;
	v13 =	vand.u32 $0xFF, v13;
	v1 =	vmul.f32 v56, v0  }
0x115: {  	v36 =	vand.u32 $0xFF, v36;
	v63 =	vor.u32 $0x3F800000, v20;
	v5 =	vadd.f32 v45, v5  }
0x116: {  	v45 =	vor.u32 $0x3F800000, v28;
	v9 =	vadd.s32 $0xFFFFFF81, v9;
	[tilespmem:$0x1FEF0] =	vst v1;
	v1 =	vadd.f32 v15, v14  }
0x117: {  	v14 =	vshrl.u32 v24, $0x17;
	v15 =	vshrl.u32 v52, $0x17;
	v24 =	vand.u32 $0x7FFFFF, v24  }
0x118: {  	v52 =	vand.u32 $0x7FFFFF, v52;
	v14 =	vand.u32 $0xFF, v14;
	v15 =	vand.u32 $0xFF, v15  }
0x119: {  	v57 =	vor.u32 $0x3F800000, v24;
	v56 =	vor.u32 $0x3F800000, v52;
	[tilespmem:$0x1FEA0] =	vst v1;
	v1 =	vmul.f32 v59, v0  }
0x11a: {  	v59 =	vshrl.u32 v43, $0x17;
	v43 =	vand.u32 $0x7FFFFF, v43;
	v20 =	vmul.f32 $2.456853910e-02, v57  }
0x11b: {  	v43 =	vor.u32 $0x3F800000, v43;
	[tilespmem:$0x1FDE0] =	vst v1;
	v1 =	vadd.f32 v25, v23;
	v23 =	vshrl.u32 v53, $0x17  }
0x11c: {  	v25 =	vshrl.u32 v54, $0x17;
	v53 =	vand.u32 $0x7FFFFF, v53;
	v54 =	vand.u32 $0x7FFFFF, v54  }
0x11d: {  	v23 =	vand.u32 $0xFF, v23;
	v25 =	vand.u32 $0xFF, v25;
	[tilespmem:$0x1FDC0] =	vst v1;
	v1 =	vmul.f32 v62, v0  }
0x11e: {  	v54 =	vor.u32 $0x3F800000, v54;
	v0 =	vmul.f32 v27, v0;
	v27 =	vshrl.u32 v58, $0x17  }
0x11f: {  	v62 =	vand.u32 $0x7FFFFF, v44;
	v58 =	vor.u32 $0x3F800000, v51;
	v27 =	vand.u32 $0xFF, v27;
	[tilespmem:$0x1FF00] =	vst v1  }
0x120: {  	v1 =	vadd.f32 v42, v26;
	[tilespmem:$0x1FF30] =	vst v0;
	v0 =	vand.u32 $0x7FFFFF, v60;
	v60 =	vor.u32 $0x3F800000, v62  }
0x121: {  	v62 =	vor.u32 $0x3F800000, v49;
	v49 =	vor.u32 $0x3F800000, v29;
	v29 =	vadd.f32 v33, v4  }
0x122: {  	v26 =	vshrl.u32 v55, $0x17;
	v33 =	vadd.f32 v37, v31;
	v37 =	vadd.f32 v21, v3  }
0x123: {  	v55 =	vor.u32 $0x3F800000, v53;
	v31 =	vadd.f32 v22, v34;
	v34 =	vadd.f32 v12, v40  }
0x124: {  	v3 =	vadd.s32 $0xFFFFFF81, v35;
	v53 =	vadd.s32 $0xFFFFFF81, v25;
	v21 =	vmul.f32 $2.456853910e-02, v56  }
0x125: {  	v52 =	vadd.s32 $0xFFFFFF81, v27;
	v25 =	vmul.f32 $2.456853910e-02, v48;
	v27 =	vmul.f32 $2.456853910e-02, v45  }
0x126: {  	v26 =	vand.u32 $0xFF, v26;
	v44 =	vor.u32 $0x3F800000, v0;
	v12 =	vmul.f32 $2.456853910e-02, v60  }
0x127: {  	v0 =	vadd.f32 v18, v6;
	v22 =	vmul.f32 $2.456853910e-02, v55;
	v24 =	vmul.f32 $2.456853910e-02, v49  }
0x128: {  	v6 =	vadd.s32 $0xFFFFFF81, v36;
	v36 =	vmul.f32 $2.456853910e-02, v43;
	v3 =	vcvt.s32.f32 v3  }
0x129: {  	v4 =	vld [tilespmem:$0x1FD90];
	[tilespmem:$0x1FDD0] =	vst v1;
	v1 =	vand.u32 $0x7FFFFF, v61;
	v61 =	vor.u32 $0x3F800000, v47;
	v47 =	vand.u32 $0xFF, v59  }
0x12a: {  	v59 =	vor.u32 $0x3F800000, v50;
	v51 =	vadd.s32 $0xFFFFFF81, v26;
	v50 =	vadd.s32 $0xFFFFFF81, v38  }
0x12b: {  	v26 =	vadd.s32 $0xFFFFFF81, v2;
	[tilespmem:$0x1FF10] =	vst v0;
	v0 =	vadd.f32 v16, v7;
	v42 =	vor.u32 $0x3F800000, v1  }
0x12c: {  	v1 =	vadd.f32 v10, v41;
	v10 =	vadd.s32 $0xFFFFFF81, v13;
	v13 =	vmul.f32 $2.456853910e-02, v61  }
0x12d: {  	v16 =	vmul.f32 $2.456853910e-02, v62;
	v18 =	vmul.f32 $2.456853910e-02, v59;
	v41 =	vadd.s32 $0xFFFFFF81, v39  }
0x12e: {  	v7 =	vcvt.s32.f32 v6;
	v35 =	vmul.f32 $2.456853910e-02, v42;
	v28 =	vadd.f32 v46, v4;
	[tilespmem:$0x1FF40] =	vst v0  }
0x12f: {  	v0 =	vadd.f32 v19, v8;
	[tilespmem:$0x1FF60] =	vst v1;
	v1 =	vadd.s32 $0xFFFFFF81, v11;
	v11 =	vadd.s32 $0xFFFFFF81, v14  }
0x130: {  	v4 =	vld [tilespmem:$0x1FDA0];
	v14 =	vadd.s32 $0xFFFFFF81, v15;
	v15 =	vadd.s32 $0xFFFFFF81, v23;
	v19 =	vmul.f32 $2.456853910e-02, v58  }
0x131: {  	v23 =	vmul.f32 $2.456853910e-02, v54;
	v46 =	vadd.s32 $0xFFFFFF81, v47;
	v2 =	vcvt.s32.f32 v14  }
0x132: {  	v14 =	vsub.f32 $2.650243040e-01, v22;
	[tilespmem:$0x1FF50] =	vst v0;
	v0 =	vadd.s32 $0xFFFFFF81, v32;
	v32 =	vmul.f32 $2.456853910e-02, v44  }
0x133: {  	v6 =	vcvt.s32.f32 v15;
	v15 =	vsub.f32 $2.650243040e-01, v23;
	v23 =	vsub.f32 $2.650243040e-01, v35  }
0x134: {  	v8 =	vcvt.s32.f32 v0;
	v0 =	vld [tilespmem:$0x1FDB0];
	v14 =	vmul.f32 v55, v14;
	v22 =	vsub.f32 $2.650243040e-01, v32  }
0x135: {  	v15 =	vmul.f32 v54, v15;
	v23 =	vmul.f32 v42, v23;
	v30 =	vadd.f32 v17, v4  }
0x136: {  	v4 =	vcvt.s32.f32 v1;
	v1 =	vcvt.s32.f32 v11;
	v11 =	vsub.f32 $2.650243040e-01, v20  }
0x137: {  	v17 =	vmul.f32 $2.456853910e-02, v63;
	v20 =	vsub.f32 $2.650243040e-01, v25;
	v14 =	vadd.f32 $-1.229290960e+00, v14  }
0x138: {  	v22 =	vmul.f32 v44, v22;
	v15 =	vadd.f32 $-1.229290960e+00, v15;
	v23 =	vadd.f32 $-1.229290960e+00, v23  }
0x139: {  	v40 =	vadd.f32 v5, v0;
	v5 =	vcvt.s32.f32 v9;
	v9 =	vsub.f32 $2.650243040e-01, v12  }
0x13a: {  	v12 =	vsub.f32 $2.650243040e-01, v13;
	v0 =	vcvt.s32.f32 v10;
	v10 =	vsub.f32 $2.650243040e-01, v16  }
0x13b: {  	v11 =	vmul.f32 v57, v11;
	v13 =	vsub.f32 $2.650243040e-01, v17;
	v16 =	vsub.f32 $2.650243040e-01, v18  }
0x13c: {  	v20 =	vmul.f32 v48, v20;
	v17 =	vsub.f32 $2.650243040e-01, v19;
	v18 =	vsub.f32 $2.650243040e-01, v21  }
0x13d: {  	v14 =	vmul.f32 v55, v14;
	v19 =	vsub.f32 $2.650243040e-01, v24;
	v21 =	vsub.f32 $2.650243040e-01, v27  }
0x13e: {  	v24 =	vsub.f32 $2.650243040e-01, v36;
	v15 =	vmul.f32 v54, v15;
	v23 =	vmul.f32 v42, v23  }
0x13f: {  	v22 =	vadd.f32 $-1.229290960e+00, v22;
	v9 =	vmul.f32 v60, v9;
	v12 =	vmul.f32 v61, v12  }
0x140: {  	v11 =	vadd.f32 $-1.229290960e+00, v11;
	v10 =	vmul.f32 v62, v10;
	v16 =	vmul.f32 v59, v16  }
0x141: {  	v20 =	vadd.f32 $-1.229290960e+00, v20;
	v13 =	vmul.f32 v63, v13;
	v17 =	vmul.f32 v58, v17  }
0x142: {  	v14 =	vadd.f32 $3.212800260e+00, v14;
	v18 =	vmul.f32 v56, v18;
	v19 =	vmul.f32 v49, v19  }
0x143: {  	v21 =	vmul.f32 v45, v21;
	v24 =	vmul.f32 v43, v24;
	v15 =	vadd.f32 $3.212800260e+00, v15  }
0x144: {  	v22 =	vmul.f32 v44, v22;
	v23 =	vadd.f32 $3.212800260e+00, v23;
	v9 =	vadd.f32 $-1.229290960e+00, v9  }
0x145: {  	v11 =	vmul.f32 v57, v11;
	v12 =	vadd.f32 $-1.229290960e+00, v12;
	v10 =	vadd.f32 $-1.229290960e+00, v10  }
0x146: {  	v20 =	vmul.f32 v48, v20;
	v16 =	vadd.f32 $-1.229290960e+00, v16;
	v13 =	vadd.f32 $-1.229290960e+00, v13  }
0x147: {  	v14 =	vmul.f32 v55, v14;
	v17 =	vadd.f32 $-1.229290960e+00, v17;
	v18 =	vadd.f32 $-1.229290960e+00, v18  }
0x148: {  	v19 =	vadd.f32 $-1.229290960e+00, v19;
	v21 =	vadd.f32 $-1.229290960e+00, v21;
	v15 =	vmul.f32 v54, v15  }
0x149: {  	v24 =	vadd.f32 $-1.229290960e+00, v24;
	v38 =	vmul.f32 v42, v23;
	v9 =	vmul.f32 v60, v9  }
0x14a: {  	v22 =	vadd.f32 $3.212800260e+00, v22;
	v12 =	vmul.f32 v61, v12;
	v10 =	vmul.f32 v62, v10  }
0x14b: {  	v11 =	vadd.f32 $3.212800260e+00, v11;
	v13 =	vmul.f32 v63, v13;
	v16 =	vmul.f32 v59, v16  }
0x14c: {  	v20 =	vadd.f32 $3.212800260e+00, v20;
	v17 =	vmul.f32 v58, v17;
	v18 =	vmul.f32 v56, v18  }
0x14d: {  	v19 =	vmul.f32 v49, v19;
	v21 =	vmul.f32 v45, v21;
	v15 =	vadd.f32 $-5.261682510e+00, v15  }
0x14e: {  	v24 =	vmul.f32 v43, v24;
	v9 =	vadd.f32 $3.212800260e+00, v9;
	v12 =	vadd.f32 $3.212800260e+00, v12  }
0x14f: {  	v35 =	vmul.f32 v44, v22;
	v10 =	vadd.f32 $3.212800260e+00, v10;
	v16 =	vadd.f32 $3.212800260e+00, v16  }
0x150: {  	v11 =	vmul.f32 v57, v11;
	v13 =	vadd.f32 $3.212800260e+00, v13;
	v17 =	vadd.f32 $3.212800260e+00, v17  }
0x151: {  	v20 =	vmul.f32 v48, v20;
	v18 =	vadd.f32 $3.212800260e+00, v18;
	v19 =	vadd.f32 $3.212800260e+00, v19  }
0x152: {  	v21 =	vadd.f32 $3.212800260e+00, v21;
	v9 =	vmul.f32 v60, v9;
	v12 =	vmul.f32 v61, v12  }
0x153: {  	v24 =	vadd.f32 $3.212800260e+00, v24;
	v10 =	vmul.f32 v62, v10;
	v16 =	vmul.f32 v59, v16  }
0x154: {  	v47 =	vadd.f32 $-5.261682510e+00, v11;
	v13 =	vmul.f32 v63, v13;
	v17 =	vmul.f32 v58, v17  }
0x155: {  	v18 =	vmul.f32 v56, v18;
	v9 =	vadd.f32 $-5.261682510e+00, v9;
	v12 =	vadd.f32 $-5.261682510e+00, v12  }
0x156: {  	v19 =	vmul.f32 v49, v19;
	v27 =	vadd.f32 $-5.261682510e+00, v10;
	v13 =	vadd.f32 $-5.261682510e+00, v13  }
0x157: {  	p0 =	sne.s32 s13, $0x7800;
	v25 =	vmul.f32 v45, v21;
	v32 =	vadd.f32 $-5.261682510e+00, v16;
	v36 =	vadd.f32 $-5.261682510e+00, v17  }
.Ltmp0:
0x158: {  	v11 =	vmul.f32 v43, v24;
	v16 =	vadd.f32 $-5.261682510e+00, v18;
	v17 =	vadd.f32 $-5.261682510e+00, v14;
	(pc) =	sbr.rel @p0 .LBB2_2-.Ltmp0, $4  }
0x159: {  	v14 =	vadd.f32 $-5.261682510e+00, v19;
	v10 =	vadd.f32 $-5.261682510e+00, v25;
	v19 =	vmul.f32 v57, v47  }
0x15a: {  	v39 =	vld [tilespmem:$0x1FDE0];
	v21 =	vmul.f32 v60, v9;
	v9 =	vadd.f32 $-5.261682510e+00, v20;
	v22 =	vmul.f32 v61, v12  }
0x15b: {  	v23 =	vmul.f32 v62, v27;
	v27 =	vld [tilespmem:$0x1FDC0];
	v20 =	vmul.f32 v59, v32;
	v12 =	vadd.f32 $-5.261682510e+00, v35  }
0x15c: {  	s13 =	sadd.s32 $0x800, s13;
	v24 =	vmul.f32 v63, v13;
	v18 =	vmul.f32 v58, v36;
	v13 =	vadd.f32 $-5.261682510e+00, v38;
	v38 =	vld [tilespmem:$0x1FDD0]  }
0x15d: {  	v21 =	vadd.f32 $6.066871640e+00, v21;
	v22 =	vadd.f32 $6.066871640e+00, v22;
	v16 =	vmul.f32 v56, v16  }
0x15e: {  	v23 =	vadd.f32 $6.066871640e+00, v23;
	v17 =	vmul.f32 v55, v17;
	v15 =	vmul.f32 v54, v15  }
0x15f: {  	v20 =	vadd.f32 $6.066871640e+00, v20;
	v14 =	vmul.f32 v49, v14;
	v9 =	vmul.f32 v48, v9  }
0x160: {  	v19 =	vadd.f32 $6.066871640e+00, v19;
	v10 =	vmul.f32 v45, v10;
	v12 =	vmul.f32 v44, v12  }
0x161: {  	v11 =	vadd.f32 $-5.261682510e+00, v11;
	v25 =	vcvt.s32.f32 v53;
	v32 =	vcvt.s32.f32 v51  }
0x162: {  	v35 =	vcvt.s32.f32 v52;
	v36 =	vcvt.s32.f32 v50;
	v24 =	vadd.f32 $6.066871640e+00, v24  }
0x163: {  	v18 =	vadd.f32 $6.066871640e+00, v18;
	v13 =	vmul.f32 v42, v13;
	v21 =	vmul.f32 v60, v21  }
0x164: {  	v22 =	vmul.f32 v61, v22;
	v23 =	vmul.f32 v62, v23;
	v16 =	vadd.f32 $6.066871640e+00, v16  }
0x165: {  	v20 =	vmul.f32 v59, v20;
	v17 =	vadd.f32 $6.066871640e+00, v17;
	v15 =	vadd.f32 $6.066871640e+00, v15  }
0x166: {  	v19 =	vmul.f32 v57, v19;
	v14 =	vadd.f32 $6.066871640e+00, v14;
	v9 =	vadd.f32 $6.066871640e+00, v9  }
0x167: {  	v11 =	vmul.f32 v43, v11;
	v10 =	vadd.f32 $6.066871640e+00, v10;
	v12 =	vadd.f32 $6.066871640e+00, v12  }
0x168: {  	v24 =	vmul.f32 v63, v24;
	v13 =	vadd.f32 $6.066871640e+00, v13;
	v21 =	vadd.f32 $-3.029151440e+00, v21  }
0x169: {  	v18 =	vmul.f32 v58, v18;
	v62 =	vadd.f32 $-3.029151440e+00, v22;
	v63 =	vadd.f32 $-3.029151440e+00, v23  }
0x16a: {  	v16 =	vmul.f32 v56, v16;
	v20 =	vadd.f32 $-3.029151440e+00, v20;
	v11 =	vadd.f32 $6.066871640e+00, v11  }
0x16b: {  	v17 =	vmul.f32 v55, v17;
	v19 =	vadd.f32 $-3.029151440e+00, v19;
	v24 =	vadd.f32 $-3.029151440e+00, v24  }
0x16c: {  	v15 =	vmul.f32 v54, v15;
	v18 =	vadd.f32 $-3.029151440e+00, v18;
	v8 =	vadd.f32 v8, v21  }
0x16d: {  	v50 =	vld [tilespmem:$0x1FF30];
	v14 =	vmul.f32 v49, v14;
	v4 =	vadd.f32 v4, v62;
	v3 =	vadd.f32 v3, v63  }
0x16e: {  	v10 =	vmul.f32 v45, v10;
	v5 =	vadd.f32 v5, v20;
	v16 =	vadd.f32 $-3.029151440e+00, v16  }
0x16f: {  	v12 =	vmul.f32 v44, v12;
	v17 =	vadd.f32 $-3.029151440e+00, v17;
	v1 =	vadd.f32 v1, v19  }
0x170: {  	v9 =	vmul.f32 v48, v9;
	v15 =	vadd.f32 $-3.029151440e+00, v15;
	v14 =	vadd.f32 $-3.029151440e+00, v14  }
0x171: {  	v44 =	vcvt.s32.f32 v46;
	v10 =	vadd.f32 $-3.029151440e+00, v10;
	v12 =	vadd.f32 $-3.029151440e+00, v12  }
0x172: {  	v47 =	vld [tilespmem:$0x1FEA0];
	v13 =	vmul.f32 v42, v13;
	v9 =	vadd.f32 $-3.029151440e+00, v9;
	v20 =	vadd.f32 v38, v50  }
0x173: {  	v51 =	vld [tilespmem:$0x1FE00];
	v49 =	vcvt.s32.f32 v41;
	v7 =	vadd.f32 v7, v24;
	v0 =	vadd.f32 v0, v18  }
0x174: {  	v52 =	vld [tilespmem:$0x1FF40];
	v11 =	vmul.f32 v43, v11;
	v13 =	vadd.f32 $-3.029151440e+00, v13;
	v2 =	vadd.f32 v2, v16  }
0x175: {  	v53 =	vld [tilespmem:$0x1FE20];
	v43 =	vcvt.s32.f32 v26;
	v6 =	vadd.f32 v6, v17;
	v15 =	vadd.f32 v25, v15  }
0x176: {  	v57 =	vld [tilespmem:$0x1FFD0];
	v14 =	vadd.f32 v32, v14;
	v8 =	vmul.f32 $6.931471820e-01, v8;
	v4 =	vmul.f32 $6.931471820e-01, v4  }
0x177: {  	v60 =	vld [tilespmem:$0x1FF10];
	v10 =	vadd.f32 v35, v10;
	v5 =	vmul.f32 $6.931471820e-01, v5;
	v1 =	vmul.f32 $6.931471820e-01, v1  }
0x178: {  	v42 =	vld [tilespmem:$0x1FDF0];
	v12 =	vadd.f32 v36, v12;
	v3 =	vmul.f32 $6.931471820e-01, v3;
	v0 =	vmul.f32 $6.931471820e-01, v0  }
0x179: {  	v45 =	vld [tilespmem:$0x1FE90];
	v11 =	vadd.f32 $-3.029151440e+00, v11;
	v7 =	vmul.f32 $6.931471820e-01, v7;
	v8 =	vmul.f32 v8, v40  }
0x17a: {  	v48 =	vld [tilespmem:$0x1FF00];
	v17 =	vadd.f32 v47, v39;
	v6 =	vmul.f32 $6.931471820e-01, v6;
	v15 =	vmul.f32 $6.931471820e-01, v15  }
0x17b: {  	v46 =	vld [tilespmem:$0x1FEF0];
	v9 =	vadd.f32 v49, v9;
	v5 =	vmul.f32 v5, v29;
	v10 =	vmul.f32 $6.931471820e-01, v10  }
0x17c: {  	v58 =	vld [tilespmem:$0x1FF60];
	v13 =	vadd.f32 v43, v13;
	v12 =	vmul.f32 $6.931471820e-01, v12;
	v14 =	vmul.f32 $6.931471820e-01, v14  }
0x17d: {  	v55 =	vld [tilespmem:$0x1FFB0];
	v16 =	vadd.f32 v30, v42;
	v9 =	vmul.f32 $6.931471820e-01, v9;
	v2 =	vmul.f32 $6.931471820e-01, v2  }
0x17e: {  	v56 =	vld [tilespmem:$0x1FFC0];
	v11 =	vadd.f32 v44, v11;
	v1 =	vmul.f32 v1, v60;
	v13 =	vmul.f32 $6.931471820e-01, v13  }
0x17f: {  	v54 =	vld [tilespmem:$0x1FFA0];
	v18 =	vadd.f32 v27, v48;
	v4 =	vmul.f32 v4, v16;
	v6 =	vmul.f32 v6, v37  }
0x180: {  	v16 =	vadd.f32 v45, v46;
	v15 =	vmul.f32 v15, v31;
	v11 =	vmul.f32 $6.931471820e-01, v11  }
0x181: {  	v62 =	vld [tilespmem:$0x1FF50];
	v12 =	vmul.f32 v12, v17;
	v17 =	vadd.f32 v33, v53;
	v13 =	vmul.f32 v13, v18  }
0x182: {  	v10 =	vmul.f32 v10, v16;
	v16 =	vadd.f32 v52, v51;
	v11 =	vmul.f32 v11, v20  }
0x183: {  	v14 =	vmul.f32 v14, v34;
	v12 =	vadd.f32 v12, v55;
	v13 =	vadd.f32 v13, v56  }
0x184: {  	v9 =	vmul.f32 v9, v58;
	v10 =	vadd.f32 v10, v54;
	v11 =	vadd.f32 v11, v57  }
0x185: {  	v0 =	vmul.f32 v0, v28;
	v59 =	vadd.f32 v15, v12;
	v61 =	vadd.f32 v14, v13  }
0x186: {  	v2 =	vmul.f32 v2, v62;
	v6 =	vadd.f32 v6, v10;
	v9 =	vadd.f32 v9, v11  }
0x187: {  	v3 =	vmul.f32 v3, v16;
	v0 =	vadd.f32 v0, v59;
	v1 =	vadd.f32 v1, v61  }
0x188: {  	v63 =	vmul.f32 v7, v17;
	v5 =	vadd.f32 v5, v6;
	v2 =	vadd.f32 v2, v9  }
0x189: {  	v0 =	vadd.f32 v4, v0;
	v1 =	vadd.f32 v3, v1  }
0x18a: {  	v5 =	vadd.f32 v8, v5;
	v2 =	vadd.f32 v63, v2;
	_ =	sdelay $0x1  }
0x18b: {  	v0 =	vadd.f32 v0, v5;
	v1 =	vadd.f32 v2, v1;
	_ =	sdelay $0x1  }
0x18c: {  	s12 =	sadd.s32 $0x1, s12;
	v0 =	vadd.f32 v1, v0  }
0x18d: {  	p0 =	sne.s32 s12, s7  }
.Ltmp1:
0x18e: {  	[tilespmem:$0x4800] =	vst v0;
	(pc) =	sbr.rel @p0 .LBB2_1-.Ltmp1, $4  }
0x18f: {  	[hbm4b:s6+s2] =	stream.linear.scatter [tilespmem:s11], [sflag:$0x1], $0x80, $0x38;
	[tilespmem:$0x4880] =	vst v63  }
0x190: {  	_ =	swait.ge [sflag:s9], $0x80  }
0x191: {  	[sflag:s9] =	ssyncset.done $0x0;
	v50 =	vld [tilespmem:$0x1FFF0]  }
0x192: {  	v49 =	vld [tilespmem:$0x1FFE0];
	[sflag:s9] =	ssyncadd.s32 $0xFFFFFF80  }
0x193: {  	_ =	sfence.sel $0x180000  }
0x194: {  	[bflag:$0x0] =	sbarrier.arrive $0xFFFF  }
0x195: {  	p0 =	sne.s32 s1, $0x0;
	_ =	strace $0x90000047  }
0x196: {  	s0 =	sadd.s32 @!p0 $0x100000, s0;
	[bflag:$0x2] =	sbarrier.arrive $0xFFFF  }
0x197: {  	[sflag:s0] =	ssyncadd.tile.s32 @!p0 $0x1;
	_ =	shalt  }
.Lfunc_end2:
_tile_overlayer_lowered:
.L_overlay_start_2:
0x198: {  	(tag) =	ssettag $0x2  }
0x199: {  	s0 =	rddreg [dreg:$0x0];
	s2 =	stileid.u32  }
0x19a: {  	s1 =	rddreg [dreg:$0x1];
	p0 =	sne.s32 s2, $0x0  }
0x19b: {  	s3 =	rddreg [dreg:$0x2];
	[bflag:$0x3] =	sbarrier.arrive $0xFFFF;
	s2 =	simm.s32 @!p0 $0x1C01  }
0x19c: {  	[timem:s3], [sflag:s2] =	dma.local @!p0 [hbm:s0], s1  }
0x19d: {  	s0 =	simm.s32 @!p0 $0x1  }
0x19e: {  	_ =	swait.ge @!p0 [sflag:s0], s1  }
0x19f: {  	s1 =	ssub.s32 @!p0 $0x0, s1;
	[sflag:s0] =	ssyncset.done @!p0 $0x0  }
0x1a0: {  	[sflag:s0] =	ssyncadd.s32 @!p0 s1  }
0x1a1: {  	[bflag:$0x3] =	sbarrier.arrive $0xFFFF  }
0x1a2: {  	_ =	shalt  }

</sc_bundles>
